<compile_context>
chip_gen: v7x
topology: tpu7x:2x2x1
jax: 0.10.2.dev20260603
libtpu: 0.0.44.dev20260713+nightly
codegen_flags: <defaults>
</compile_context>

<pallas_src>
import functools

import jax
import jax.numpy as jnp
from jax import lax
from jax.experimental import pallas as pl
from jax.experimental.pallas import tpu as pltpu
from jax.experimental.pallas import tpu_sc as plsc

G = 128
NBUF = 5
DEPTH = 3
NC = 2
NS = 16
NW = NC * NS


@functools.lru_cache(maxsize=None)
def _make_gather(num_blocks, vocab, d):
  blocks_per_w = num_blocks // NW
  outer = blocks_per_w // NBUF
  mesh = plsc.VectorSubcoreMesh(core_axis_name="c", subcore_axis_name="s")

  @functools.partial(
      pl.kernel,
      mesh=mesh,
      out_type=jax.ShapeDtypeStruct((num_blocks, G, d), jnp.float32),
      scratch_types=(
          [pltpu.VMEM((blocks_per_w, G), jnp.int32)]
          + [pltpu.VMEM((G, d), jnp.float32) for _ in range(NBUF)]
          + [pltpu.SemaphoreType.DMA for _ in range(2 * NBUF)]
      ),
  )
  def gather_kernel(table_hbm, idx_hbm, out_hbm, idx_all, *bufs_and_sems):
    rows_v = bufs_and_sems[:NBUF]
    gsem = bufs_and_sems[NBUF:2 * NBUF]
    wsem = bufs_and_sems[2 * NBUF:]
    wid = lax.axis_index("s") * NC + lax.axis_index("c")
    base = wid * blocks_per_w

    pltpu.sync_copy(idx_hbm.at[pl.ds(base, blocks_per_w)], idx_all)

    def fire_gather(ci, s):
      pltpu.async_copy(table_hbm.at[idx_all.at[ci]], rows_v[s], gsem[s])

    def drain_gather(s):
      pltpu.make_async_copy(table_hbm.at[idx_all.at[0]], rows_v[s],
                            gsem[s]).wait()

    def fire_write(ci, s):
      pltpu.async_copy(rows_v[s], out_hbm.at[base + ci], wsem[s])

    def wait_write(s):
      pltpu.make_async_copy(rows_v[s], out_hbm.at[0], wsem[s]).wait()

    def body(i, carry):
      for b in range(NBUF):
        ci = i * NBUF + b
        s2 = (b - DEPTH) % NBUF
        if b < DEPTH:
          @pl.when(i > 0)
          def _(ci=ci, b=b, s2=s2):
            wait_write(b)
            fire_gather(ci, b)
            drain_gather(s2)
            fire_write(ci - DEPTH, s2)

          @pl.when(i == 0)
          def _(ci=ci, b=b):
            fire_gather(ci, b)
        else:
          @pl.when(i > 0)
          def _(b=b):
            wait_write(b)
          fire_gather(ci, b)
          drain_gather(s2)
          fire_write(ci - DEPTH, s2)
      return carry

    lax.fori_loop(0, outer, body, 0)

    last = outer * NBUF
    for k in range(DEPTH):
      s = (last - DEPTH + k) % NBUF
      drain_gather(s)
      fire_write(last - DEPTH + k, s)
    for s in range(NBUF):
      wait_write(s)

  return gather_kernel


def kernel(indices, embed_weight):
  b, h = indices.shape
  vocab, d = embed_weight.shape
  flat = indices.reshape(-1).astype(jnp.int32)
  num_blocks = flat.shape[0] // G
  idx2d = flat.reshape(num_blocks, G)
  out = _make_gather(num_blocks, vocab, d)(embed_weight, idx2d)
  return out.reshape(b, h, d)

# --- scband reference (transcript-rebuilt; emitter-appended) ---
"""Pipeline reference for scband-base-model-10479720202902 (READ-ONLY COPY).

The authoritative reference and input builder live on the scoring server;
editing this copy changes nothing except your own understanding.
"""

import jax, jax.numpy as jnp
import numpy as np

VOCAB = 100000
EMBED_SIZE = 128
BATCH = 4096
HIST_LEN = 200


def setup_inputs(seed: int = 0) -> dict:
    key = jax.random.key(seed)
    k_idx, k_w = jax.random.split(key)
    indices = jax.random.randint(k_idx, (BATCH, HIST_LEN), 0, VOCAB, dtype=jnp.int64 if jax.config.jax_enable_x64 else jnp.int32)
    # nn.Embedding(vocab_size + 2, embed_size) default init ~ N(0, 1)
    embed_weight = jax.random.normal(k_w, (VOCAB + 2, EMBED_SIZE), dtype=jnp.float32)
    return {"indices": indices, "embed_weight": embed_weight}


def reference(indices, embed_weight):
    # Faithful translation of self.embed(indices): row gather from the embedding table.
    return jnp.take(embed_weight, indices, axis=0)

if __name__ == "__main__":
    import jax
    _d = setup_inputs()
    print(jax.jit(kernel)(*tuple(_d.values())))

</pallas_src>

<mosaic_0001>
#map = affine_map<(d0, d1) -> (0, 0)>
#map1 = affine_map<(d0, d1) -> (0, 0, 0)>
module attributes {stable_mosaic.version = 14 : i64} {
  func.func @gather_kernel(%arg0: i32, %arg1: i32, %arg2: memref<100002x128xf32, #tpu.memory_space<hbm>>, %arg3: memref<6400x128xi32, #tpu.memory_space<hbm>>, %arg4: memref<6400x128x128xf32, #tpu.memory_space<hbm>>, %arg5: memref<200x128xi32, #tpu.memory_space<vmem>>, %arg6: memref<128x128xf32, #tpu.memory_space<vmem>>, %arg7: memref<128x128xf32, #tpu.memory_space<vmem>>, %arg8: memref<128x128xf32, #tpu.memory_space<vmem>>, %arg9: memref<128x128xf32, #tpu.memory_space<vmem>>, %arg10: memref<128x128xf32, #tpu.memory_space<vmem>>, %arg11: memref<!tpu.dma_semaphore, #tpu.memory_space<semaphore_mem>>, %arg12: memref<!tpu.dma_semaphore, #tpu.memory_space<semaphore_mem>>, %arg13: memref<!tpu.dma_semaphore, #tpu.memory_space<semaphore_mem>>, %arg14: memref<!tpu.dma_semaphore, #tpu.memory_space<semaphore_mem>>, %arg15: memref<!tpu.dma_semaphore, #tpu.memory_space<semaphore_mem>>, %arg16: memref<!tpu.dma_semaphore, #tpu.memory_space<semaphore_mem>>, %arg17: memref<!tpu.dma_semaphore, #tpu.memory_space<semaphore_mem>>, %arg18: memref<!tpu.dma_semaphore, #tpu.memory_space<semaphore_mem>>, %arg19: memref<!tpu.dma_semaphore, #tpu.memory_space<semaphore_mem>>, %arg20: memref<!tpu.dma_semaphore, #tpu.memory_space<semaphore_mem>>) attributes {dimension_semantics = [#tpu.dimension_semantics<core_parallel>, #tpu.dimension_semantics<subcore_parallel>], iteration_bounds = array<i64: 2, 16>, scalar_prefetch = 0 : i64, scratch_operands = 16 : i64, tpu.core_type = #tpu.core_type<sc_vector_subcore>, window_params = [{transform_indices = #map}, {transform_indices = #map}, {transform_indices = #map1}]} {
    %mul3A = arith.constant 2 : i32
    %mul3A_0 = arith.muli %arg1, %mul3A : i32
    %add3A = arith.addi %mul3A_0, %arg0 : i32
    %mul3A_1 = arith.constant 200 : i32
    %mul3A_2 = arith.muli %add3A, %mul3A_1 : i32
    "tpu.region"() ({
      %run_scoped3A = tpu.sem_alloc : memref<!tpu.dma_semaphore, #tpu.memory_space<semaphore_mem>>
      %dma_start3A_102 = arith.constant 0 : i32
      %dma_start3A_103 = tpu.memref_slice %arg3[%mul3A_2, %dma_start3A_102] : memref<6400x128xi32, #tpu.memory_space<hbm>> -> memref<200x128xi32, #tpu.memory_space<hbm>>
      %dma_start3A_104 = arith.constant 0 : i32
      %dma_start3A_105 = tpu.memref_slice %arg3[%mul3A_2, %dma_start3A_104] : memref<6400x128xi32, #tpu.memory_space<hbm>> -> memref<200x128xi32, #tpu.memory_space<hbm>>
      tpu.enqueue_dma source(%dma_start3A_105 : memref<200x128xi32, #tpu.memory_space<hbm>>) target(%arg5 : memref<200x128xi32, #tpu.memory_space<vmem>>) target_semaphore(%run_scoped3A : memref<!tpu.dma_semaphore, #tpu.memory_space<semaphore_mem>>)
      %dma_wait3A_106 = arith.constant 0 : i32
      %dma_wait3A_107 = tpu.memref_slice %arg3[%mul3A_2, %dma_wait3A_106] : memref<6400x128xi32, #tpu.memory_space<hbm>> -> memref<200x128xi32, #tpu.memory_space<hbm>>
      %dma_wait3A_108 = arith.constant 0 : i32
      %dma_wait3A_109 = tpu.memref_slice %arg3[%mul3A_2, %dma_wait3A_108] : memref<6400x128xi32, #tpu.memory_space<hbm>> -> memref<200x128xi32, #tpu.memory_space<hbm>>
      tpu.wait_dma2 semaphore(%run_scoped3A : memref<!tpu.dma_semaphore, #tpu.memory_space<semaphore_mem>>) src(%dma_wait3A_109 : memref<200x128xi32, #tpu.memory_space<hbm>>) dst(%arg5 : memref<200x128xi32, #tpu.memory_space<vmem>>)
      tpu.yield
    }) : () -> ()
    %scan3A = arith.constant 0 : i32
    %scan3A_3 = arith.constant 0 : i32
    %scan3A_4 = arith.constant 40 : i32
    %scan3A_5 = arith.addi %scan3A_3, %scan3A_4 : i32
    %scan3A_6 = arith.constant 1 : i32
    scf.for %scan3A_102 = %scan3A_3 to %scan3A_5 step %scan3A_6  : i32 {
      %mul3A_103 = arith.constant 5 : i32
      %mul3A_104 = arith.muli %scan3A_102, %mul3A_103 : i32
      %add3A_105 = arith.constant 0 : i32
      %add3A_106 = arith.addi %mul3A_104, %add3A_105 : i32
      %gt3A = arith.constant 0 : i32
      %gt3A_107 = arith.cmpi sgt, %scan3A_102, %gt3A : i32
      %convert_element_type3A = arith.extui %gt3A_107 : i1 to i32
      %cond3A = arith.constant 0 : i32
      %cond3A_108 = arith.cmpi ne, %convert_element_type3A, %cond3A : i32
      scf.if %cond3A_108 {
        %dma_wait3A_206 = arith.constant 0 : i32
        %dma_wait3A_207 = arith.constant 0 : i32
        %dma_wait3A_208 = arith.constant 0 : i32
        %dma_wait3A_209 = tpu.memref_slice %arg4[%dma_wait3A_206, %dma_wait3A_207, %dma_wait3A_208] : memref<6400x128x128xf32, #tpu.memory_space<hbm>> -> memref<1x128x128xf32, #tpu.memory_space<hbm>>
        %dma_wait3A_210 = tpu.memref_squeeze %dma_wait3A_209 : memref<1x128x128xf32, #tpu.memory_space<hbm>> -> memref<128x128xf32, #tpu.memory_space<hbm>>
        %dma_wait3A_211 = arith.constant 0 : i32
        %dma_wait3A_212 = arith.constant 0 : i32
        %dma_wait3A_213 = tpu.memref_slice %arg4[%dma_wait3A_206, %dma_wait3A_211, %dma_wait3A_212] : memref<6400x128x128xf32, #tpu.memory_space<hbm>> -> memref<1x128x128xf32, #tpu.memory_space<hbm>>
        %dma_wait3A_214 = tpu.memref_squeeze %dma_wait3A_213 : memref<1x128x128xf32, #tpu.memory_space<hbm>> -> memref<128x128xf32, #tpu.memory_space<hbm>>
        tpu.wait_dma2 semaphore(%arg16 : memref<!tpu.dma_semaphore, #tpu.memory_space<semaphore_mem>>) src(%arg6 : memref<128x128xf32, #tpu.memory_space<vmem>>) dst(%dma_wait3A_214 : memref<128x128xf32, #tpu.memory_space<hbm>>)
        %dma_start3A_215 = arith.constant 0 : i32
        %dma_start3A_216 = tpu.memref_slice %arg5[%add3A_106, %dma_start3A_215] : memref<200x128xi32, #tpu.memory_space<vmem>> -> memref<1x128xi32, #tpu.memory_space<vmem>>
        %dma_start3A_217 = tpu.memref_squeeze %dma_start3A_216 : memref<1x128xi32, #tpu.memory_space<vmem>> -> memref<128xi32, #tpu.memory_space<vmem>>
        %dma_start3A_218 = arith.constant 0 : i32
        %dma_start3A_219 = arith.constant 0 : i32
        %dma_start3A_220 = tpu.memref_slice %arg2[%dma_start3A_218, %dma_start3A_219] : memref<100002x128xf32, #tpu.memory_space<hbm>> -> memref<100002x128xf32, #tpu.memory_space<hbm>>
        tpu.enqueue_indirect_dma source(%dma_start3A_220 : memref<100002x128xf32, #tpu.memory_space<hbm>>) target(%arg6 : memref<128x128xf32, #tpu.memory_space<vmem>>) offsets(%dma_start3A_217 : memref<128xi32, #tpu.memory_space<vmem>>) semaphore(%arg11 : memref<!tpu.dma_semaphore, #tpu.memory_space<semaphore_mem>>)
        %dma_wait3A_221 = arith.constant 0 : i32
        %dma_wait3A_222 = arith.constant 0 : i32
        %dma_wait3A_223 = tpu.memref_slice %arg5[%dma_wait3A_221, %dma_wait3A_222] : memref<200x128xi32, #tpu.memory_space<vmem>> -> memref<1x128xi32, #tpu.memory_space<vmem>>
        %dma_wait3A_224 = tpu.memref_squeeze %dma_wait3A_223 : memref<1x128xi32, #tpu.memory_space<vmem>> -> memref<128xi32, #tpu.memory_space<vmem>>
        %dma_wait3A_225 = arith.constant 0 : i32
        %dma_wait3A_226 = arith.constant 0 : i32
        %dma_wait3A_227 = tpu.memref_slice %arg2[%dma_wait3A_225, %dma_wait3A_226] : memref<100002x128xf32, #tpu.memory_space<hbm>> -> memref<100002x128xf32, #tpu.memory_space<hbm>>
        tpu.wait_indirect_dma semaphore(%arg13 : memref<!tpu.dma_semaphore, #tpu.memory_space<semaphore_mem>>) src(%dma_wait3A_227 : memref<100002x128xf32, #tpu.memory_space<hbm>>) dst(%arg8 : memref<128x128xf32, #tpu.memory_space<vmem>>)
        %sub3A_228 = arith.constant 3 : i32
        %sub3A_229 = arith.subi %add3A_106, %sub3A_228 : i32
        %add3A_230 = arith.addi %mul3A_2, %sub3A_229 : i32
        %dma_start3A_231 = arith.constant 0 : i32
        %dma_start3A_232 = arith.constant 0 : i32
        %dma_start3A_233 = tpu.memref_slice %arg4[%add3A_230, %dma_start3A_231, %dma_start3A_232] : memref<6400x128x128xf32, #tpu.memory_space<hbm>> -> memref<1x128x128xf32, #tpu.memory_space<hbm>>
        %dma_start3A_234 = tpu.memref_squeeze %dma_start3A_233 : memref<1x128x128xf32, #tpu.memory_space<hbm>> -> memref<128x128xf32, #tpu.memory_space<hbm>>
        %dma_start3A_235 = arith.constant 0 : i32
        %dma_start3A_236 = arith.constant 0 : i32
        %dma_start3A_237 = tpu.memref_slice %arg4[%add3A_230, %dma_start3A_235, %dma_start3A_236] : memref<6400x128x128xf32, #tpu.memory_space<hbm>> -> memref<1x128x128xf32, #tpu.memory_space<hbm>>
        %dma_start3A_238 = tpu.memref_squeeze %dma_start3A_237 : memref<1x128x128xf32, #tpu.memory_space<hbm>> -> memref<128x128xf32, #tpu.memory_space<hbm>>
        tpu.enqueue_dma source(%arg8 : memref<128x128xf32, #tpu.memory_space<vmem>>) target(%dma_start3A_238 : memref<128x128xf32, #tpu.memory_space<hbm>>) target_semaphore(%arg18 : memref<!tpu.dma_semaphore, #tpu.memory_space<semaphore_mem>>)
      } else {
      }
      %eq3A = arith.constant 0 : i32
      %eq3A_109 = arith.cmpi eq, %scan3A_102, %eq3A : i32
      %convert_element_type3A_110 = arith.extui %eq3A_109 : i1 to i32
      %cond3A_111 = arith.constant 0 : i32
      %cond3A_112 = arith.cmpi ne, %convert_element_type3A_110, %cond3A_111 : i32
      scf.if %cond3A_112 {
        %dma_start3A_206 = arith.constant 0 : i32
        %dma_start3A_207 = tpu.memref_slice %arg5[%add3A_106, %dma_start3A_206] : memref<200x128xi32, #tpu.memory_space<vmem>> -> memref<1x128xi32, #tpu.memory_space<vmem>>
        %dma_start3A_208 = tpu.memref_squeeze %dma_start3A_207 : memref<1x128xi32, #tpu.memory_space<vmem>> -> memref<128xi32, #tpu.memory_space<vmem>>
        %dma_start3A_209 = arith.constant 0 : i32
        %dma_start3A_210 = arith.constant 0 : i32
        %dma_start3A_211 = tpu.memref_slice %arg2[%dma_start3A_209, %dma_start3A_210] : memref<100002x128xf32, #tpu.memory_space<hbm>> -> memref<100002x128xf32, #tpu.memory_space<hbm>>
        tpu.enqueue_indirect_dma source(%dma_start3A_211 : memref<100002x128xf32, #tpu.memory_space<hbm>>) target(%arg6 : memref<128x128xf32, #tpu.memory_space<vmem>>) offsets(%dma_start3A_208 : memref<128xi32, #tpu.memory_space<vmem>>) semaphore(%arg11 : memref<!tpu.dma_semaphore, #tpu.memory_space<semaphore_mem>>)
      } else {
      }
      %mul3A_113 = arith.constant 5 : i32
      %mul3A_114 = arith.muli %scan3A_102, %mul3A_113 : i32
      %add3A_115 = arith.constant 1 : i32
      %add3A_116 = arith.addi %mul3A_114, %add3A_115 : i32
      %gt3A_117 = arith.constant 0 : i32
      %gt3A_118 = arith.cmpi sgt, %scan3A_102, %gt3A_117 : i32
      %convert_element_type3A_119 = arith.extui %gt3A_118 : i1 to i32
      %cond3A_120 = arith.constant 0 : i32
      %cond3A_121 = arith.cmpi ne, %convert_element_type3A_119, %cond3A_120 : i32
      scf.if %cond3A_121 {
        %dma_wait3A_206 = arith.constant 0 : i32
        %dma_wait3A_207 = arith.constant 0 : i32
        %dma_wait3A_208 = arith.constant 0 : i32
        %dma_wait3A_209 = tpu.memref_slice %arg4[%dma_wait3A_206, %dma_wait3A_207, %dma_wait3A_208] : memref<6400x128x128xf32, #tpu.memory_space<hbm>> -> memref<1x128x128xf32, #tpu.memory_space<hbm>>
        %dma_wait3A_210 = tpu.memref_squeeze %dma_wait3A_209 : memref<1x128x128xf32, #tpu.memory_space<hbm>> -> memref<128x128xf32, #tpu.memory_space<hbm>>
        %dma_wait3A_211 = arith.constant 0 : i32
        %dma_wait3A_212 = arith.constant 0 : i32
        %dma_wait3A_213 = tpu.memref_slice %arg4[%dma_wait3A_206, %dma_wait3A_211, %dma_wait3A_212] : memref<6400x128x128xf32, #tpu.memory_space<hbm>> -> memref<1x128x128xf32, #tpu.memory_space<hbm>>
        %dma_wait3A_214 = tpu.memref_squeeze %dma_wait3A_213 : memref<1x128x128xf32, #tpu.memory_space<hbm>> -> memref<128x128xf32, #tpu.memory_space<hbm>>
        tpu.wait_dma2 semaphore(%arg17 : memref<!tpu.dma_semaphore, #tpu.memory_space<semaphore_mem>>) src(%arg7 : memref<128x128xf32, #tpu.memory_space<vmem>>) dst(%dma_wait3A_214 : memref<128x128xf32, #tpu.memory_space<hbm>>)
        %dma_start3A_215 = arith.constant 0 : i32
        %dma_start3A_216 = tpu.memref_slice %arg5[%add3A_116, %dma_start3A_215] : memref<200x128xi32, #tpu.memory_space<vmem>> -> memref<1x128xi32, #tpu.memory_space<vmem>>
        %dma_start3A_217 = tpu.memref_squeeze %dma_start3A_216 : memref<1x128xi32, #tpu.memory_space<vmem>> -> memref<128xi32, #tpu.memory_space<vmem>>
        %dma_start3A_218 = arith.constant 0 : i32
        %dma_start3A_219 = arith.constant 0 : i32
        %dma_start3A_220 = tpu.memref_slice %arg2[%dma_start3A_218, %dma_start3A_219] : memref<100002x128xf32, #tpu.memory_space<hbm>> -> memref<100002x128xf32, #tpu.memory_space<hbm>>
        tpu.enqueue_indirect_dma source(%dma_start3A_220 : memref<100002x128xf32, #tpu.memory_space<hbm>>) target(%arg7 : memref<128x128xf32, #tpu.memory_space<vmem>>) offsets(%dma_start3A_217 : memref<128xi32, #tpu.memory_space<vmem>>) semaphore(%arg12 : memref<!tpu.dma_semaphore, #tpu.memory_space<semaphore_mem>>)
        %dma_wait3A_221 = arith.constant 0 : i32
        %dma_wait3A_222 = arith.constant 0 : i32
        %dma_wait3A_223 = tpu.memref_slice %arg5[%dma_wait3A_221, %dma_wait3A_222] : memref<200x128xi32, #tpu.memory_space<vmem>> -> memref<1x128xi32, #tpu.memory_space<vmem>>
        %dma_wait3A_224 = tpu.memref_squeeze %dma_wait3A_223 : memref<1x128xi32, #tpu.memory_space<vmem>> -> memref<128xi32, #tpu.memory_space<vmem>>
        %dma_wait3A_225 = arith.constant 0 : i32
        %dma_wait3A_226 = arith.constant 0 : i32
        %dma_wait3A_227 = tpu.memref_slice %arg2[%dma_wait3A_225, %dma_wait3A_226] : memref<100002x128xf32, #tpu.memory_space<hbm>> -> memref<100002x128xf32, #tpu.memory_space<hbm>>
        tpu.wait_indirect_dma semaphore(%arg14 : memref<!tpu.dma_semaphore, #tpu.memory_space<semaphore_mem>>) src(%dma_wait3A_227 : memref<100002x128xf32, #tpu.memory_space<hbm>>) dst(%arg9 : memref<128x128xf32, #tpu.memory_space<vmem>>)
        %sub3A_228 = arith.constant 3 : i32
        %sub3A_229 = arith.subi %add3A_116, %sub3A_228 : i32
        %add3A_230 = arith.addi %mul3A_2, %sub3A_229 : i32
        %dma_start3A_231 = arith.constant 0 : i32
        %dma_start3A_232 = arith.constant 0 : i32
        %dma_start3A_233 = tpu.memref_slice %arg4[%add3A_230, %dma_start3A_231, %dma_start3A_232] : memref<6400x128x128xf32, #tpu.memory_space<hbm>> -> memref<1x128x128xf32, #tpu.memory_space<hbm>>
        %dma_start3A_234 = tpu.memref_squeeze %dma_start3A_233 : memref<1x128x128xf32, #tpu.memory_space<hbm>> -> memref<128x128xf32, #tpu.memory_space<hbm>>
        %dma_start3A_235 = arith.constant 0 : i32
        %dma_start3A_236 = arith.constant 0 : i32
        %dma_start3A_237 = tpu.memref_slice %arg4[%add3A_230, %dma_start3A_235, %dma_start3A_236] : memref<6400x128x128xf32, #tpu.memory_space<hbm>> -> memref<1x128x128xf32, #tpu.memory_space<hbm>>
        %dma_start3A_238 = tpu.memref_squeeze %dma_start3A_237 : memref<1x128x128xf32, #tpu.memory_space<hbm>> -> memref<128x128xf32, #tpu.memory_space<hbm>>
        tpu.enqueue_dma source(%arg9 : memref<128x128xf32, #tpu.memory_space<vmem>>) target(%dma_start3A_238 : memref<128x128xf32, #tpu.memory_space<hbm>>) target_semaphore(%arg19 : memref<!tpu.dma_semaphore, #tpu.memory_space<semaphore_mem>>)
      } else {
      }
      %eq3A_122 = arith.constant 0 : i32
      %eq3A_123 = arith.cmpi eq, %scan3A_102, %eq3A_122 : i32
      %convert_element_type3A_124 = arith.extui %eq3A_123 : i1 to i32
      %cond3A_125 = arith.constant 0 : i32
      %cond3A_126 = arith.cmpi ne, %convert_element_type3A_124, %cond3A_125 : i32
      scf.if %cond3A_126 {
        %dma_start3A_206 = arith.constant 0 : i32
        %dma_start3A_207 = tpu.memref_slice %arg5[%add3A_116, %dma_start3A_206] : memref<200x128xi32, #tpu.memory_space<vmem>> -> memref<1x128xi32, #tpu.memory_space<vmem>>
        %dma_start3A_208 = tpu.memref_squeeze %dma_start3A_207 : memref<1x128xi32, #tpu.memory_space<vmem>> -> memref<128xi32, #tpu.memory_space<vmem>>
        %dma_start3A_209 = arith.constant 0 : i32
        %dma_start3A_210 = arith.constant 0 : i32
        %dma_start3A_211 = tpu.memref_slice %arg2[%dma_start3A_209, %dma_start3A_210] : memref<100002x128xf32, #tpu.memory_space<hbm>> -> memref<100002x128xf32, #tpu.memory_space<hbm>>
        tpu.enqueue_indirect_dma source(%dma_start3A_211 : memref<100002x128xf32, #tpu.memory_space<hbm>>) target(%arg7 : memref<128x128xf32, #tpu.memory_space<vmem>>) offsets(%dma_start3A_208 : memref<128xi32, #tpu.memory_space<vmem>>) semaphore(%arg12 : memref<!tpu.dma_semaphore, #tpu.memory_space<semaphore_mem>>)
      } else {
      }
      %mul3A_127 = arith.constant 5 : i32
      %mul3A_128 = arith.muli %scan3A_102, %mul3A_127 : i32
      %add3A_129 = arith.constant 2 : i32
      %add3A_130 = arith.addi %mul3A_128, %add3A_129 : i32
      %gt3A_131 = arith.constant 0 : i32
      %gt3A_132 = arith.cmpi sgt, %scan3A_102, %gt3A_131 : i32
      %convert_element_type3A_133 = arith.extui %gt3A_132 : i1 to i32
      %cond3A_134 = arith.constant 0 : i32
      %cond3A_135 = arith.cmpi ne, %convert_element_type3A_133, %cond3A_134 : i32
      scf.if %cond3A_135 {
        %dma_wait3A_206 = arith.constant 0 : i32
        %dma_wait3A_207 = arith.constant 0 : i32
        %dma_wait3A_208 = arith.constant 0 : i32
        %dma_wait3A_209 = tpu.memref_slice %arg4[%dma_wait3A_206, %dma_wait3A_207, %dma_wait3A_208] : memref<6400x128x128xf32, #tpu.memory_space<hbm>> -> memref<1x128x128xf32, #tpu.memory_space<hbm>>
        %dma_wait3A_210 = tpu.memref_squeeze %dma_wait3A_209 : memref<1x128x128xf32, #tpu.memory_space<hbm>> -> memref<128x128xf32, #tpu.memory_space<hbm>>
        %dma_wait3A_211 = arith.constant 0 : i32
        %dma_wait3A_212 = arith.constant 0 : i32
        %dma_wait3A_213 = tpu.memref_slice %arg4[%dma_wait3A_206, %dma_wait3A_211, %dma_wait3A_212] : memref<6400x128x128xf32, #tpu.memory_space<hbm>> -> memref<1x128x128xf32, #tpu.memory_space<hbm>>
        %dma_wait3A_214 = tpu.memref_squeeze %dma_wait3A_213 : memref<1x128x128xf32, #tpu.memory_space<hbm>> -> memref<128x128xf32, #tpu.memory_space<hbm>>
        tpu.wait_dma2 semaphore(%arg18 : memref<!tpu.dma_semaphore, #tpu.memory_space<semaphore_mem>>) src(%arg8 : memref<128x128xf32, #tpu.memory_space<vmem>>) dst(%dma_wait3A_214 : memref<128x128xf32, #tpu.memory_space<hbm>>)
        %dma_start3A_215 = arith.constant 0 : i32
        %dma_start3A_216 = tpu.memref_slice %arg5[%add3A_130, %dma_start3A_215] : memref<200x128xi32, #tpu.memory_space<vmem>> -> memref<1x128xi32, #tpu.memory_space<vmem>>
        %dma_start3A_217 = tpu.memref_squeeze %dma_start3A_216 : memref<1x128xi32, #tpu.memory_space<vmem>> -> memref<128xi32, #tpu.memory_space<vmem>>
        %dma_start3A_218 = arith.constant 0 : i32
        %dma_start3A_219 = arith.constant 0 : i32
        %dma_start3A_220 = tpu.memref_slice %arg2[%dma_start3A_218, %dma_start3A_219] : memref<100002x128xf32, #tpu.memory_space<hbm>> -> memref<100002x128xf32, #tpu.memory_space<hbm>>
        tpu.enqueue_indirect_dma source(%dma_start3A_220 : memref<100002x128xf32, #tpu.memory_space<hbm>>) target(%arg8 : memref<128x128xf32, #tpu.memory_space<vmem>>) offsets(%dma_start3A_217 : memref<128xi32, #tpu.memory_space<vmem>>) semaphore(%arg13 : memref<!tpu.dma_semaphore, #tpu.memory_space<semaphore_mem>>)
        %dma_wait3A_221 = arith.constant 0 : i32
        %dma_wait3A_222 = arith.constant 0 : i32
        %dma_wait3A_223 = tpu.memref_slice %arg5[%dma_wait3A_221, %dma_wait3A_222] : memref<200x128xi32, #tpu.memory_space<vmem>> -> memref<1x128xi32, #tpu.memory_space<vmem>>
        %dma_wait3A_224 = tpu.memref_squeeze %dma_wait3A_223 : memref<1x128xi32, #tpu.memory_space<vmem>> -> memref<128xi32, #tpu.memory_space<vmem>>
        %dma_wait3A_225 = arith.constant 0 : i32
        %dma_wait3A_226 = arith.constant 0 : i32
        %dma_wait3A_227 = tpu.memref_slice %arg2[%dma_wait3A_225, %dma_wait3A_226] : memref<100002x128xf32, #tpu.memory_space<hbm>> -> memref<100002x128xf32, #tpu.memory_space<hbm>>
        tpu.wait_indirect_dma semaphore(%arg15 : memref<!tpu.dma_semaphore, #tpu.memory_space<semaphore_mem>>) src(%dma_wait3A_227 : memref<100002x128xf32, #tpu.memory_space<hbm>>) dst(%arg10 : memref<128x128xf32, #tpu.memory_space<vmem>>)
        %sub3A_228 = arith.constant 3 : i32
        %sub3A_229 = arith.subi %add3A_130, %sub3A_228 : i32
        %add3A_230 = arith.addi %mul3A_2, %sub3A_229 : i32
        %dma_start3A_231 = arith.constant 0 : i32
        %dma_start3A_232 = arith.constant 0 : i32
        %dma_start3A_233 = tpu.memref_slice %arg4[%add3A_230, %dma_start3A_231, %dma_start3A_232] : memref<6400x128x128xf32, #tpu.memory_space<hbm>> -> memref<1x128x128xf32, #tpu.memory_space<hbm>>
        %dma_start3A_234 = tpu.memref_squeeze %dma_start3A_233 : memref<1x128x128xf32, #tpu.memory_space<hbm>> -> memref<128x128xf32, #tpu.memory_space<hbm>>
        %dma_start3A_235 = arith.constant 0 : i32
        %dma_start3A_236 = arith.constant 0 : i32
        %dma_start3A_237 = tpu.memref_slice %arg4[%add3A_230, %dma_start3A_235, %dma_start3A_236] : memref<6400x128x128xf32, #tpu.memory_space<hbm>> -> memref<1x128x128xf32, #tpu.memory_space<hbm>>
        %dma_start3A_238 = tpu.memref_squeeze %dma_start3A_237 : memref<1x128x128xf32, #tpu.memory_space<hbm>> -> memref<128x128xf32, #tpu.memory_space<hbm>>
        tpu.enqueue_dma source(%arg10 : memref<128x128xf32, #tpu.memory_space<vmem>>) target(%dma_start3A_238 : memref<128x128xf32, #tpu.memory_space<hbm>>) target_semaphore(%arg20 : memref<!tpu.dma_semaphore, #tpu.memory_space<semaphore_mem>>)
      } else {
      }
      %eq3A_136 = arith.constant 0 : i32
      %eq3A_137 = arith.cmpi eq, %scan3A_102, %eq3A_136 : i32
      %convert_element_type3A_138 = arith.extui %eq3A_137 : i1 to i32
      %cond3A_139 = arith.constant 0 : i32
      %cond3A_140 = arith.cmpi ne, %convert_element_type3A_138, %cond3A_139 : i32
      scf.if %cond3A_140 {
        %dma_start3A_206 = arith.constant 0 : i32
        %dma_start3A_207 = tpu.memref_slice %arg5[%add3A_130, %dma_start3A_206] : memref<200x128xi32, #tpu.memory_space<vmem>> -> memref<1x128xi32, #tpu.memory_space<vmem>>
        %dma_start3A_208 = tpu.memref_squeeze %dma_start3A_207 : memref<1x128xi32, #tpu.memory_space<vmem>> -> memref<128xi32, #tpu.memory_space<vmem>>
        %dma_start3A_209 = arith.constant 0 : i32
        %dma_start3A_210 = arith.constant 0 : i32
        %dma_start3A_211 = tpu.memref_slice %arg2[%dma_start3A_209, %dma_start3A_210] : memref<100002x128xf32, #tpu.memory_space<hbm>> -> memref<100002x128xf32, #tpu.memory_space<hbm>>
        tpu.enqueue_indirect_dma source(%dma_start3A_211 : memref<100002x128xf32, #tpu.memory_space<hbm>>) target(%arg8 : memref<128x128xf32, #tpu.memory_space<vmem>>) offsets(%dma_start3A_208 : memref<128xi32, #tpu.memory_space<vmem>>) semaphore(%arg13 : memref<!tpu.dma_semaphore, #tpu.memory_space<semaphore_mem>>)
      } else {
      }
      %mul3A_141 = arith.constant 5 : i32
      %mul3A_142 = arith.muli %scan3A_102, %mul3A_141 : i32
      %add3A_143 = arith.constant 3 : i32
      %add3A_144 = arith.addi %mul3A_142, %add3A_143 : i32
      %gt3A_145 = arith.constant 0 : i32
      %gt3A_146 = arith.cmpi sgt, %scan3A_102, %gt3A_145 : i32
      %convert_element_type3A_147 = arith.extui %gt3A_146 : i1 to i32
      %cond3A_148 = arith.constant 0 : i32
      %cond3A_149 = arith.cmpi ne, %convert_element_type3A_147, %cond3A_148 : i32
      scf.if %cond3A_149 {
        %dma_wait3A_206 = arith.constant 0 : i32
        %dma_wait3A_207 = arith.constant 0 : i32
        %dma_wait3A_208 = arith.constant 0 : i32
        %dma_wait3A_209 = tpu.memref_slice %arg4[%dma_wait3A_206, %dma_wait3A_207, %dma_wait3A_208] : memref<6400x128x128xf32, #tpu.memory_space<hbm>> -> memref<1x128x128xf32, #tpu.memory_space<hbm>>
        %dma_wait3A_210 = tpu.memref_squeeze %dma_wait3A_209 : memref<1x128x128xf32, #tpu.memory_space<hbm>> -> memref<128x128xf32, #tpu.memory_space<hbm>>
        %dma_wait3A_211 = arith.constant 0 : i32
        %dma_wait3A_212 = arith.constant 0 : i32
        %dma_wait3A_213 = tpu.memref_slice %arg4[%dma_wait3A_206, %dma_wait3A_211, %dma_wait3A_212] : memref<6400x128x128xf32, #tpu.memory_space<hbm>> -> memref<1x128x128xf32, #tpu.memory_space<hbm>>
        %dma_wait3A_214 = tpu.memref_squeeze %dma_wait3A_213 : memref<1x128x128xf32, #tpu.memory_space<hbm>> -> memref<128x128xf32, #tpu.memory_space<hbm>>
        tpu.wait_dma2 semaphore(%arg19 : memref<!tpu.dma_semaphore, #tpu.memory_space<semaphore_mem>>) src(%arg9 : memref<128x128xf32, #tpu.memory_space<vmem>>) dst(%dma_wait3A_214 : memref<128x128xf32, #tpu.memory_space<hbm>>)
      } else {
      }
      %dma_start3A_150 = arith.constant 0 : i32
      %dma_start3A_151 = tpu.memref_slice %arg5[%add3A_144, %dma_start3A_150] : memref<200x128xi32, #tpu.memory_space<vmem>> -> memref<1x128xi32, #tpu.memory_space<vmem>>
      %dma_start3A_152 = tpu.memref_squeeze %dma_start3A_151 : memref<1x128xi32, #tpu.memory_space<vmem>> -> memref<128xi32, #tpu.memory_space<vmem>>
      %dma_start3A_153 = arith.constant 0 : i32
      %dma_start3A_154 = arith.constant 0 : i32
      %dma_start3A_155 = tpu.memref_slice %arg2[%dma_start3A_153, %dma_start3A_154] : memref<100002x128xf32, #tpu.memory_space<hbm>> -> memref<100002x128xf32, #tpu.memory_space<hbm>>
      tpu.enqueue_indirect_dma source(%dma_start3A_155 : memref<100002x128xf32, #tpu.memory_space<hbm>>) target(%arg9 : memref<128x128xf32, #tpu.memory_space<vmem>>) offsets(%dma_start3A_152 : memref<128xi32, #tpu.memory_space<vmem>>) semaphore(%arg14 : memref<!tpu.dma_semaphore, #tpu.memory_space<semaphore_mem>>)
      %dma_wait3A_156 = arith.constant 0 : i32
      %dma_wait3A_157 = arith.constant 0 : i32
      %dma_wait3A_158 = tpu.memref_slice %arg5[%dma_wait3A_156, %dma_wait3A_157] : memref<200x128xi32, #tpu.memory_space<vmem>> -> memref<1x128xi32, #tpu.memory_space<vmem>>
      %dma_wait3A_159 = tpu.memref_squeeze %dma_wait3A_158 : memref<1x128xi32, #tpu.memory_space<vmem>> -> memref<128xi32, #tpu.memory_space<vmem>>
      %dma_wait3A_160 = arith.constant 0 : i32
      %dma_wait3A_161 = arith.constant 0 : i32
      %dma_wait3A_162 = tpu.memref_slice %arg2[%dma_wait3A_160, %dma_wait3A_161] : memref<100002x128xf32, #tpu.memory_space<hbm>> -> memref<100002x128xf32, #tpu.memory_space<hbm>>
      tpu.wait_indirect_dma semaphore(%arg11 : memref<!tpu.dma_semaphore, #tpu.memory_space<semaphore_mem>>) src(%dma_wait3A_162 : memref<100002x128xf32, #tpu.memory_space<hbm>>) dst(%arg6 : memref<128x128xf32, #tpu.memory_space<vmem>>)
      %sub3A = arith.constant 3 : i32
      %sub3A_163 = arith.subi %add3A_144, %sub3A : i32
      %add3A_164 = arith.addi %mul3A_2, %sub3A_163 : i32
      %dma_start3A_165 = arith.constant 0 : i32
      %dma_start3A_166 = arith.constant 0 : i32
      %dma_start3A_167 = tpu.memref_slice %arg4[%add3A_164, %dma_start3A_165, %dma_start3A_166] : memref<6400x128x128xf32, #tpu.memory_space<hbm>> -> memref<1x128x128xf32, #tpu.memory_space<hbm>>
      %dma_start3A_168 = tpu.memref_squeeze %dma_start3A_167 : memref<1x128x128xf32, #tpu.memory_space<hbm>> -> memref<128x128xf32, #tpu.memory_space<hbm>>
      %dma_start3A_169 = arith.constant 0 : i32
      %dma_start3A_170 = arith.constant 0 : i32
      %dma_start3A_171 = tpu.memref_slice %arg4[%add3A_164, %dma_start3A_169, %dma_start3A_170] : memref<6400x128x128xf32, #tpu.memory_space<hbm>> -> memref<1x128x128xf32, #tpu.memory_space<hbm>>
      %dma_start3A_172 = tpu.memref_squeeze %dma_start3A_171 : memref<1x128x128xf32, #tpu.memory_space<hbm>> -> memref<128x128xf32, #tpu.memory_space<hbm>>
      tpu.enqueue_dma source(%arg6 : memref<128x128xf32, #tpu.memory_space<vmem>>) target(%dma_start3A_172 : memref<128x128xf32, #tpu.memory_space<hbm>>) target_semaphore(%arg16 : memref<!tpu.dma_semaphore, #tpu.memory_space<semaphore_mem>>)
      %mul3A_173 = arith.constant 5 : i32
      %mul3A_174 = arith.muli %scan3A_102, %mul3A_173 : i32
      %add3A_175 = arith.constant 4 : i32
      %add3A_176 = arith.addi %mul3A_174, %add3A_175 : i32
      %gt3A_177 = arith.constant 0 : i32
      %gt3A_178 = arith.cmpi sgt, %scan3A_102, %gt3A_177 : i32
      %convert_element_type3A_179 = arith.extui %gt3A_178 : i1 to i32
      %cond3A_180 = arith.constant 0 : i32
      %cond3A_181 = arith.cmpi ne, %convert_element_type3A_179, %cond3A_180 : i32
      scf.if %cond3A_181 {
        %dma_wait3A_206 = arith.constant 0 : i32
        %dma_wait3A_207 = arith.constant 0 : i32
        %dma_wait3A_208 = arith.constant 0 : i32
        %dma_wait3A_209 = tpu.memref_slice %arg4[%dma_wait3A_206, %dma_wait3A_207, %dma_wait3A_208] : memref<6400x128x128xf32, #tpu.memory_space<hbm>> -> memref<1x128x128xf32, #tpu.memory_space<hbm>>
        %dma_wait3A_210 = tpu.memref_squeeze %dma_wait3A_209 : memref<1x128x128xf32, #tpu.memory_space<hbm>> -> memref<128x128xf32, #tpu.memory_space<hbm>>
        %dma_wait3A_211 = arith.constant 0 : i32
        %dma_wait3A_212 = arith.constant 0 : i32
        %dma_wait3A_213 = tpu.memref_slice %arg4[%dma_wait3A_206, %dma_wait3A_211, %dma_wait3A_212] : memref<6400x128x128xf32, #tpu.memory_space<hbm>> -> memref<1x128x128xf32, #tpu.memory_space<hbm>>
        %dma_wait3A_214 = tpu.memref_squeeze %dma_wait3A_213 : memref<1x128x128xf32, #tpu.memory_space<hbm>> -> memref<128x128xf32, #tpu.memory_space<hbm>>
        tpu.wait_dma2 semaphore(%arg20 : memref<!tpu.dma_semaphore, #tpu.memory_space<semaphore_mem>>) src(%arg10 : memref<128x128xf32, #tpu.memory_space<vmem>>) dst(%dma_wait3A_214 : memref<128x128xf32, #tpu.memory_space<hbm>>)
      } else {
      }
      %dma_start3A_182 = arith.constant 0 : i32
      %dma_start3A_183 = tpu.memref_slice %arg5[%add3A_176, %dma_start3A_182] : memref<200x128xi32, #tpu.memory_space<vmem>> -> memref<1x128xi32, #tpu.memory_space<vmem>>
      %dma_start3A_184 = tpu.memref_squeeze %dma_start3A_183 : memref<1x128xi32, #tpu.memory_space<vmem>> -> memref<128xi32, #tpu.memory_space<vmem>>
      %dma_start3A_185 = arith.constant 0 : i32
      %dma_start3A_186 = arith.constant 0 : i32
      %dma_start3A_187 = tpu.memref_slice %arg2[%dma_start3A_185, %dma_start3A_186] : memref<100002x128xf32, #tpu.memory_space<hbm>> -> memref<100002x128xf32, #tpu.memory_space<hbm>>
      tpu.enqueue_indirect_dma source(%dma_start3A_187 : memref<100002x128xf32, #tpu.memory_space<hbm>>) target(%arg10 : memref<128x128xf32, #tpu.memory_space<vmem>>) offsets(%dma_start3A_184 : memref<128xi32, #tpu.memory_space<vmem>>) semaphore(%arg15 : memref<!tpu.dma_semaphore, #tpu.memory_space<semaphore_mem>>)
      %dma_wait3A_188 = arith.constant 0 : i32
      %dma_wait3A_189 = arith.constant 0 : i32
      %dma_wait3A_190 = tpu.memref_slice %arg5[%dma_wait3A_188, %dma_wait3A_189] : memref<200x128xi32, #tpu.memory_space<vmem>> -> memref<1x128xi32, #tpu.memory_space<vmem>>
      %dma_wait3A_191 = tpu.memref_squeeze %dma_wait3A_190 : memref<1x128xi32, #tpu.memory_space<vmem>> -> memref<128xi32, #tpu.memory_space<vmem>>
      %dma_wait3A_192 = arith.constant 0 : i32
      %dma_wait3A_193 = arith.constant 0 : i32
      %dma_wait3A_194 = tpu.memref_slice %arg2[%dma_wait3A_192, %dma_wait3A_193] : memref<100002x128xf32, #tpu.memory_space<hbm>> -> memref<100002x128xf32, #tpu.memory_space<hbm>>
      tpu.wait_indirect_dma semaphore(%arg12 : memref<!tpu.dma_semaphore, #tpu.memory_space<semaphore_mem>>) src(%dma_wait3A_194 : memref<100002x128xf32, #tpu.memory_space<hbm>>) dst(%arg7 : memref<128x128xf32, #tpu.memory_space<vmem>>)
      %sub3A_195 = arith.constant 3 : i32
      %sub3A_196 = arith.subi %add3A_176, %sub3A_195 : i32
      %add3A_197 = arith.addi %mul3A_2, %sub3A_196 : i32
      %dma_start3A_198 = arith.constant 0 : i32
      %dma_start3A_199 = arith.constant 0 : i32
      %dma_start3A_200 = tpu.memref_slice %arg4[%add3A_197, %dma_start3A_198, %dma_start3A_199] : memref<6400x128x128xf32, #tpu.memory_space<hbm>> -> memref<1x128x128xf32, #tpu.memory_space<hbm>>
      %dma_start3A_201 = tpu.memref_squeeze %dma_start3A_200 : memref<1x128x128xf32, #tpu.memory_space<hbm>> -> memref<128x128xf32, #tpu.memory_space<hbm>>
      %dma_start3A_202 = arith.constant 0 : i32
      %dma_start3A_203 = arith.constant 0 : i32
      %dma_start3A_204 = tpu.memref_slice %arg4[%add3A_197, %dma_start3A_202, %dma_start3A_203] : memref<6400x128x128xf32, #tpu.memory_space<hbm>> -> memref<1x128x128xf32, #tpu.memory_space<hbm>>
      %dma_start3A_205 = tpu.memref_squeeze %dma_start3A_204 : memref<1x128x128xf32, #tpu.memory_space<hbm>> -> memref<128x128xf32, #tpu.memory_space<hbm>>
      tpu.enqueue_dma source(%arg7 : memref<128x128xf32, #tpu.memory_space<vmem>>) target(%dma_start3A_205 : memref<128x128xf32, #tpu.memory_space<hbm>>) target_semaphore(%arg17 : memref<!tpu.dma_semaphore, #tpu.memory_space<semaphore_mem>>)
    }
    %scan3A_7 = arith.constant 40 : i32
    %dma_wait3A = arith.constant 0 : i32
    %dma_wait3A_8 = arith.constant 0 : i32
    %dma_wait3A_9 = tpu.memref_slice %arg5[%dma_wait3A, %dma_wait3A_8] : memref<200x128xi32, #tpu.memory_space<vmem>> -> memref<1x128xi32, #tpu.memory_space<vmem>>
    %dma_wait3A_10 = tpu.memref_squeeze %dma_wait3A_9 : memref<1x128xi32, #tpu.memory_space<vmem>> -> memref<128xi32, #tpu.memory_space<vmem>>
    %dma_wait3A_11 = arith.constant 0 : i32
    %dma_wait3A_12 = arith.constant 0 : i32
    %dma_wait3A_13 = tpu.memref_slice %arg2[%dma_wait3A_11, %dma_wait3A_12] : memref<100002x128xf32, #tpu.memory_space<hbm>> -> memref<100002x128xf32, #tpu.memory_space<hbm>>
    tpu.wait_indirect_dma semaphore(%arg13 : memref<!tpu.dma_semaphore, #tpu.memory_space<semaphore_mem>>) src(%dma_wait3A_13 : memref<100002x128xf32, #tpu.memory_space<hbm>>) dst(%arg8 : memref<128x128xf32, #tpu.memory_space<vmem>>)
    %add3A_14 = arith.constant 197 : i32
    %add3A_15 = arith.addi %mul3A_2, %add3A_14 : i32
    %dma_start3A = arith.constant 0 : i32
    %dma_start3A_16 = arith.constant 0 : i32
    %dma_start3A_17 = tpu.memref_slice %arg4[%add3A_15, %dma_start3A, %dma_start3A_16] : memref<6400x128x128xf32, #tpu.memory_space<hbm>> -> memref<1x128x128xf32, #tpu.memory_space<hbm>>
    %dma_start3A_18 = tpu.memref_squeeze %dma_start3A_17 : memref<1x128x128xf32, #tpu.memory_space<hbm>> -> memref<128x128xf32, #tpu.memory_space<hbm>>
    %dma_start3A_19 = arith.constant 0 : i32
    %dma_start3A_20 = arith.constant 0 : i32
    %dma_start3A_21 = tpu.memref_slice %arg4[%add3A_15, %dma_start3A_19, %dma_start3A_20] : memref<6400x128x128xf32, #tpu.memory_space<hbm>> -> memref<1x128x128xf32, #tpu.memory_space<hbm>>
    %dma_start3A_22 = tpu.memref_squeeze %dma_start3A_21 : memref<1x128x128xf32, #tpu.memory_space<hbm>> -> memref<128x128xf32, #tpu.memory_space<hbm>>
    tpu.enqueue_dma source(%arg8 : memref<128x128xf32, #tpu.memory_space<vmem>>) target(%dma_start3A_22 : memref<128x128xf32, #tpu.memory_space<hbm>>) target_semaphore(%arg18 : memref<!tpu.dma_semaphore, #tpu.memory_space<semaphore_mem>>)
    %dma_wait3A_23 = arith.constant 0 : i32
    %dma_wait3A_24 = arith.constant 0 : i32
    %dma_wait3A_25 = tpu.memref_slice %arg5[%dma_wait3A_23, %dma_wait3A_24] : memref<200x128xi32, #tpu.memory_space<vmem>> -> memref<1x128xi32, #tpu.memory_space<vmem>>
    %dma_wait3A_26 = tpu.memref_squeeze %dma_wait3A_25 : memref<1x128xi32, #tpu.memory_space<vmem>> -> memref<128xi32, #tpu.memory_space<vmem>>
    %dma_wait3A_27 = arith.constant 0 : i32
    %dma_wait3A_28 = arith.constant 0 : i32
    %dma_wait3A_29 = tpu.memref_slice %arg2[%dma_wait3A_27, %dma_wait3A_28] : memref<100002x128xf32, #tpu.memory_space<hbm>> -> memref<100002x128xf32, #tpu.memory_space<hbm>>
    tpu.wait_indirect_dma semaphore(%arg14 : memref<!tpu.dma_semaphore, #tpu.memory_space<semaphore_mem>>) src(%dma_wait3A_29 : memref<100002x128xf32, #tpu.memory_space<hbm>>) dst(%arg9 : memref<128x128xf32, #tpu.memory_space<vmem>>)
    %add3A_30 = arith.constant 198 : i32
    %add3A_31 = arith.addi %mul3A_2, %add3A_30 : i32
    %dma_start3A_32 = arith.constant 0 : i32
    %dma_start3A_33 = arith.constant 0 : i32
    %dma_start3A_34 = tpu.memref_slice %arg4[%add3A_31, %dma_start3A_32, %dma_start3A_33] : memref<6400x128x128xf32, #tpu.memory_space<hbm>> -> memref<1x128x128xf32, #tpu.memory_space<hbm>>
    %dma_start3A_35 = tpu.memref_squeeze %dma_start3A_34 : memref<1x128x128xf32, #tpu.memory_space<hbm>> -> memref<128x128xf32, #tpu.memory_space<hbm>>
    %dma_start3A_36 = arith.constant 0 : i32
    %dma_start3A_37 = arith.constant 0 : i32
    %dma_start3A_38 = tpu.memref_slice %arg4[%add3A_31, %dma_start3A_36, %dma_start3A_37] : memref<6400x128x128xf32, #tpu.memory_space<hbm>> -> memref<1x128x128xf32, #tpu.memory_space<hbm>>
    %dma_start3A_39 = tpu.memref_squeeze %dma_start3A_38 : memref<1x128x128xf32, #tpu.memory_space<hbm>> -> memref<128x128xf32, #tpu.memory_space<hbm>>
    tpu.enqueue_dma source(%arg9 : memref<128x128xf32, #tpu.memory_space<vmem>>) target(%dma_start3A_39 : memref<128x128xf32, #tpu.memory_space<hbm>>) target_semaphore(%arg19 : memref<!tpu.dma_semaphore, #tpu.memory_space<semaphore_mem>>)
    %dma_wait3A_40 = arith.constant 0 : i32
    %dma_wait3A_41 = arith.constant 0 : i32
    %dma_wait3A_42 = tpu.memref_slice %arg5[%dma_wait3A_40, %dma_wait3A_41] : memref<200x128xi32, #tpu.memory_space<vmem>> -> memref<1x128xi32, #tpu.memory_space<vmem>>
    %dma_wait3A_43 = tpu.memref_squeeze %dma_wait3A_42 : memref<1x128xi32, #tpu.memory_space<vmem>> -> memref<128xi32, #tpu.memory_space<vmem>>
    %dma_wait3A_44 = arith.constant 0 : i32
    %dma_wait3A_45 = arith.constant 0 : i32
    %dma_wait3A_46 = tpu.memref_slice %arg2[%dma_wait3A_44, %dma_wait3A_45] : memref<100002x128xf32, #tpu.memory_space<hbm>> -> memref<100002x128xf32, #tpu.memory_space<hbm>>
    tpu.wait_indirect_dma semaphore(%arg15 : memref<!tpu.dma_semaphore, #tpu.memory_space<semaphore_mem>>) src(%dma_wait3A_46 : memref<100002x128xf32, #tpu.memory_space<hbm>>) dst(%arg10 : memref<128x128xf32, #tpu.memory_space<vmem>>)
    %add3A_47 = arith.constant 199 : i32
    %add3A_48 = arith.addi %mul3A_2, %add3A_47 : i32
    %dma_start3A_49 = arith.constant 0 : i32
    %dma_start3A_50 = arith.constant 0 : i32
    %dma_start3A_51 = tpu.memref_slice %arg4[%add3A_48, %dma_start3A_49, %dma_start3A_50] : memref<6400x128x128xf32, #tpu.memory_space<hbm>> -> memref<1x128x128xf32, #tpu.memory_space<hbm>>
    %dma_start3A_52 = tpu.memref_squeeze %dma_start3A_51 : memref<1x128x128xf32, #tpu.memory_space<hbm>> -> memref<128x128xf32, #tpu.memory_space<hbm>>
    %dma_start3A_53 = arith.constant 0 : i32
    %dma_start3A_54 = arith.constant 0 : i32
    %dma_start3A_55 = tpu.memref_slice %arg4[%add3A_48, %dma_start3A_53, %dma_start3A_54] : memref<6400x128x128xf32, #tpu.memory_space<hbm>> -> memref<1x128x128xf32, #tpu.memory_space<hbm>>
    %dma_start3A_56 = tpu.memref_squeeze %dma_start3A_55 : memref<1x128x128xf32, #tpu.memory_space<hbm>> -> memref<128x128xf32, #tpu.memory_space<hbm>>
    tpu.enqueue_dma source(%arg10 : memref<128x128xf32, #tpu.memory_space<vmem>>) target(%dma_start3A_56 : memref<128x128xf32, #tpu.memory_space<hbm>>) target_semaphore(%arg20 : memref<!tpu.dma_semaphore, #tpu.memory_space<semaphore_mem>>)
    %dma_wait3A_57 = arith.constant 0 : i32
    %dma_wait3A_58 = arith.constant 0 : i32
    %dma_wait3A_59 = arith.constant 0 : i32
    %dma_wait3A_60 = tpu.memref_slice %arg4[%dma_wait3A_57, %dma_wait3A_58, %dma_wait3A_59] : memref<6400x128x128xf32, #tpu.memory_space<hbm>> -> memref<1x128x128xf32, #tpu.memory_space<hbm>>
    %dma_wait3A_61 = tpu.memref_squeeze %dma_wait3A_60 : memref<1x128x128xf32, #tpu.memory_space<hbm>> -> memref<128x128xf32, #tpu.memory_space<hbm>>
    %dma_wait3A_62 = arith.constant 0 : i32
    %dma_wait3A_63 = arith.constant 0 : i32
    %dma_wait3A_64 = tpu.memref_slice %arg4[%dma_wait3A_57, %dma_wait3A_62, %dma_wait3A_63] : memref<6400x128x128xf32, #tpu.memory_space<hbm>> -> memref<1x128x128xf32, #tpu.memory_space<hbm>>
    %dma_wait3A_65 = tpu.memref_squeeze %dma_wait3A_64 : memref<1x128x128xf32, #tpu.memory_space<hbm>> -> memref<128x128xf32, #tpu.memory_space<hbm>>
    tpu.wait_dma2 semaphore(%arg16 : memref<!tpu.dma_semaphore, #tpu.memory_space<semaphore_mem>>) src(%arg6 : memref<128x128xf32, #tpu.memory_space<vmem>>) dst(%dma_wait3A_65 : memref<128x128xf32, #tpu.memory_space<hbm>>)
    %dma_wait3A_66 = arith.constant 0 : i32
    %dma_wait3A_67 = arith.constant 0 : i32
    %dma_wait3A_68 = arith.constant 0 : i32
    %dma_wait3A_69 = tpu.memref_slice %arg4[%dma_wait3A_66, %dma_wait3A_67, %dma_wait3A_68] : memref<6400x128x128xf32, #tpu.memory_space<hbm>> -> memref<1x128x128xf32, #tpu.memory_space<hbm>>
    %dma_wait3A_70 = tpu.memref_squeeze %dma_wait3A_69 : memref<1x128x128xf32, #tpu.memory_space<hbm>> -> memref<128x128xf32, #tpu.memory_space<hbm>>
    %dma_wait3A_71 = arith.constant 0 : i32
    %dma_wait3A_72 = arith.constant 0 : i32
    %dma_wait3A_73 = tpu.memref_slice %arg4[%dma_wait3A_66, %dma_wait3A_71, %dma_wait3A_72] : memref<6400x128x128xf32, #tpu.memory_space<hbm>> -> memref<1x128x128xf32, #tpu.memory_space<hbm>>
    %dma_wait3A_74 = tpu.memref_squeeze %dma_wait3A_73 : memref<1x128x128xf32, #tpu.memory_space<hbm>> -> memref<128x128xf32, #tpu.memory_space<hbm>>
    tpu.wait_dma2 semaphore(%arg17 : memref<!tpu.dma_semaphore, #tpu.memory_space<semaphore_mem>>) src(%arg7 : memref<128x128xf32, #tpu.memory_space<vmem>>) dst(%dma_wait3A_74 : memref<128x128xf32, #tpu.memory_space<hbm>>)
    %dma_wait3A_75 = arith.constant 0 : i32
    %dma_wait3A_76 = arith.constant 0 : i32
    %dma_wait3A_77 = arith.constant 0 : i32
    %dma_wait3A_78 = tpu.memref_slice %arg4[%dma_wait3A_75, %dma_wait3A_76, %dma_wait3A_77] : memref<6400x128x128xf32, #tpu.memory_space<hbm>> -> memref<1x128x128xf32, #tpu.memory_space<hbm>>
    %dma_wait3A_79 = tpu.memref_squeeze %dma_wait3A_78 : memref<1x128x128xf32, #tpu.memory_space<hbm>> -> memref<128x128xf32, #tpu.memory_space<hbm>>
    %dma_wait3A_80 = arith.constant 0 : i32
    %dma_wait3A_81 = arith.constant 0 : i32
    %dma_wait3A_82 = tpu.memref_slice %arg4[%dma_wait3A_75, %dma_wait3A_80, %dma_wait3A_81] : memref<6400x128x128xf32, #tpu.memory_space<hbm>> -> memref<1x128x128xf32, #tpu.memory_space<hbm>>
    %dma_wait3A_83 = tpu.memref_squeeze %dma_wait3A_82 : memref<1x128x128xf32, #tpu.memory_space<hbm>> -> memref<128x128xf32, #tpu.memory_space<hbm>>
    tpu.wait_dma2 semaphore(%arg18 : memref<!tpu.dma_semaphore, #tpu.memory_space<semaphore_mem>>) src(%arg8 : memref<128x128xf32, #tpu.memory_space<vmem>>) dst(%dma_wait3A_83 : memref<128x128xf32, #tpu.memory_space<hbm>>)
    %dma_wait3A_84 = arith.constant 0 : i32
    %dma_wait3A_85 = arith.constant 0 : i32
    %dma_wait3A_86 = arith.constant 0 : i32
    %dma_wait3A_87 = tpu.memref_slice %arg4[%dma_wait3A_84, %dma_wait3A_85, %dma_wait3A_86] : memref<6400x128x128xf32, #tpu.memory_space<hbm>> -> memref<1x128x128xf32, #tpu.memory_space<hbm>>
    %dma_wait3A_88 = tpu.memref_squeeze %dma_wait3A_87 : memref<1x128x128xf32, #tpu.memory_space<hbm>> -> memref<128x128xf32, #tpu.memory_space<hbm>>
    %dma_wait3A_89 = arith.constant 0 : i32
    %dma_wait3A_90 = arith.constant 0 : i32
    %dma_wait3A_91 = tpu.memref_slice %arg4[%dma_wait3A_84, %dma_wait3A_89, %dma_wait3A_90] : memref<6400x128x128xf32, #tpu.memory_space<hbm>> -> memref<1x128x128xf32, #tpu.memory_space<hbm>>
    %dma_wait3A_92 = tpu.memref_squeeze %dma_wait3A_91 : memref<1x128x128xf32, #tpu.memory_space<hbm>> -> memref<128x128xf32, #tpu.memory_space<hbm>>
    tpu.wait_dma2 semaphore(%arg19 : memref<!tpu.dma_semaphore, #tpu.memory_space<semaphore_mem>>) src(%arg9 : memref<128x128xf32, #tpu.memory_space<vmem>>) dst(%dma_wait3A_92 : memref<128x128xf32, #tpu.memory_space<hbm>>)
    %dma_wait3A_93 = arith.constant 0 : i32
    %dma_wait3A_94 = arith.constant 0 : i32
    %dma_wait3A_95 = arith.constant 0 : i32
    %dma_wait3A_96 = tpu.memref_slice %arg4[%dma_wait3A_93, %dma_wait3A_94, %dma_wait3A_95] : memref<6400x128x128xf32, #tpu.memory_space<hbm>> -> memref<1x128x128xf32, #tpu.memory_space<hbm>>
    %dma_wait3A_97 = tpu.memref_squeeze %dma_wait3A_96 : memref<1x128x128xf32, #tpu.memory_space<hbm>> -> memref<128x128xf32, #tpu.memory_space<hbm>>
    %dma_wait3A_98 = arith.constant 0 : i32
    %dma_wait3A_99 = arith.constant 0 : i32
    %dma_wait3A_100 = tpu.memref_slice %arg4[%dma_wait3A_93, %dma_wait3A_98, %dma_wait3A_99] : memref<6400x128x128xf32, #tpu.memory_space<hbm>> -> memref<1x128x128xf32, #tpu.memory_space<hbm>>
    %dma_wait3A_101 = tpu.memref_squeeze %dma_wait3A_100 : memref<1x128x128xf32, #tpu.memory_space<hbm>> -> memref<128x128xf32, #tpu.memory_space<hbm>>
    tpu.wait_dma2 semaphore(%arg20 : memref<!tpu.dma_semaphore, #tpu.memory_space<semaphore_mem>>) src(%arg10 : memref<128x128xf32, #tpu.memory_space<vmem>>) dst(%dma_wait3A_101 : memref<128x128xf32, #tpu.memory_space<hbm>>)
    return
  }
}

</mosaic_0001>

<sc_bundles>
// kernel: kernel.3.cloned.1.call-start
scs
__scs_entry_jumppad:
0x0: {  	(pc) =	sbr.rel $0x88, $3  }
0x1: {  	(tag) =	ssettag $0x0;
	lr =	simm.s32 $0x1  }
0x2: {  	[smem:$0x3F9F] =	sst lr;
	_ =	strace $0xD0000000  }
0x3: {  	_ = 	snop  }
0x4: {  	_ = 	snop  }
0x5: {  	_ = 	snop  }
0x6: {  	_ = 	snop  }
0x7: {  	_ = 	snop  }
__scs_overlays_trampoline_lowered:
0x8: {  	[smem:$0x3FAE] =	sst s0  }
0x9: {  	[smem:$0x3FAF] =	sst s1  }
0xa: {  	[smem:$0x3FB0] =	sst s2  }
0xb: {  	[smem:$0x3FB1] =	sst s3  }
0xc: {  	[smem:$0x3FB2] =	sst s4  }
0xd: {  	[smem:$0x3FB3] =	sst s5  }
0xe: {  	[smem:$0x3FB4] =	sst s6  }
0xf: {  	[smem:$0x3FB5] =	sst s7  }
0x10: {  	[smem:$0x3FB6] =	sst s8  }
0x11: {  	[smem:$0x3FB7] =	sst s9;
	s0 =	simm.s32 @!p0 $0x0  }
0x12: {  	s1 =	sld [smem:$0x3F9D];
	s0 =	simm.s32 @p0 $0x1  }
0x13: {  	[smem:$0x3FB8] =	sst s0;
	s0 =	simm.s32 @!p1 $0x0  }
0x14: {  	s2 =	sld [smem:$0x3F9C];
	s0 =	simm.s32 @p1 $0x1  }
0x15: {  	[smem:$0x3FB9] =	sst s0;
	s0 =	simm.s32 @!p2 $0x0  }
0x16: {  	s3 =	sld [smem:$0x3FDB];
	s0 =	simm.s32 @p2 $0x1  }
0x17: {  	s4 =	simm.s32 $0x1BF5;
	[smem:$0x3FBB] =	sst s0  }
0x18: {  	s0 =	sld [smem:$0x3F9E];
	_ =	swait.ge [sflag:s4], $0x0  }
0x19: {  	s7 =	sld [smem:$0x3F9F]  }
0x1a: {  	s8 =	sadd.s32 $0xFFFFE003, lr  }
0x1b: {  	s9 =	sadd.s32 $0xFFFFFEF7, lr;
	s5 =	simm.s32 $0xFFFFFFFF;
	p2 =	slt.u32 s8, $0xFFFFF086  }
0x1c: {  	p1 =	slt.u32 s9, $0xF7A;
	s5 =	simm.s32 @!p2 $0x0  }
0x1d: {  	s5 =	simm.s32 @p1 $0x1;
	p0 =	seq.s32 s7, s2  }
0x1e: {  	s7 =	smul.u32 @!p0 $0xF7A, s2;
	p2 =	seq.s32 @!p0 s5, $0x0  }
0x1f: {  	s9 =	smul.u32 $0xF7A, s1;
	s8 =	simm.s32 @!p0 $0x1BF5;
	p2 =	por !p2, p0  }
0x20: {  	[sflag:s8] =	ssyncset.s32 @!p0 $0xFFFFF086;
	s6 =	sadd.s32 @!p0 s3, s7;
	s7 =	simm.s32 @!p0 $0x108  }
0x21: {  	s3 =	sadd.s32 s3, s9;
	s6 =	sadd.s32 @!p0 $0x88, s6;
	s7 =	simm.s32 @p2 $0x1082  }
0x22: {  	[simem:s7], [sflag:s8] =	dma.local @!p0 [hbm:s6], $0xF7A  }
0x23: {  	s9 =	sor.u32 $0xD0000000, s2;
	s6 =	simm.s32 $0x108;
	_ =	swait.ge @!p0 [sflag:s8], $0x0  }
0x24: {  	s3 =	sadd.s32 $0x88, s3;
	s6 =	simm.s32 @!p1 $0x1082;
	[sflag:s4] =	ssyncset.s32 $0xFFFFF086  }
0x25: {  	[simem:s6], [sflag:s4] =	dma.local [hbm:s3], $0xF7A  }
0x26: {  	[smem:$0x3F9F] =	sst s1;
	(tag) =	ssettag s2;
	_ =	strace s9  }
0x27: {  	s1 =	sld [smem:$0x3FAF]  }
0x28: {  	s2 =	sld [smem:$0x3FB0]  }
0x29: {  	s4 =	sld [smem:$0x3FB2]  }
0x2a: {  	p0 =	seq.s32 s5, $0x0;
	s5 =	sld [smem:$0x3FB3]  }
0x2b: {  	s6 =	sld [smem:$0x3FB4]  }
0x2c: {  	s7 =	sld [smem:$0x3FB5]  }
0x2d: {  	s3 =	simm.s32 $0x108;
	s8 =	sld [smem:$0x3FB6]  }
0x2e: {  	s3 =	simm.s32 @!p0 $0x1082;
	s9 =	sld [smem:$0x3FB7]  }
0x2f: {  	lr =	sadd.s32 s0, s3;
	s0 =	sld [smem:$0x3FAE]  }
0x30: {  	s3 =	sld [smem:$0x3FB1]  }
0x31: {  	[smem:$0x3FBA] =	sst s10  }
0x32: {  	s10 =	sld [smem:$0x3FB8];
	_ =	sdelay $0x3  }
0x33: {  	p0 =	seq.s32 s10, $0x1;
	s10 =	sld [smem:$0x3FBA];
	_ =	sdelay $0x3  }
0x34: {  	[smem:$0x3FBA] =	sst s10  }
0x35: {  	s10 =	sld [smem:$0x3FB9];
	_ =	sdelay $0x3  }
0x36: {  	p1 =	seq.s32 s10, $0x1;
	s10 =	sld [smem:$0x3FBA];
	_ =	sdelay $0x3  }
0x37: {  	[smem:$0x3FBA] =	sst s10  }
0x38: {  	s10 =	sld [smem:$0x3FBB]  }
0x39: {  	_ = 	snop;
	(pc) =	sbr.ind lr, $3  }
0x3a: {  	_ = 	snop  }
0x3b: {  	_ = 	snop  }
0x3c: {  	p2 =	seq.s32 s10, $0x1;
	s10 =	sld [smem:$0x3FBA]  }
0x3d: {  	_ =	shalt  }
0x3e: {  	_ =	shalt  }
0x3f: {  	_ =	shalt  }
0x40: {  	_ =	shalt  }
0x41: {  	_ =	shalt  }
0x42: {  	_ =	shalt  }
0x43: {  	_ =	shalt  }
0x44: {  	_ =	shalt  }
0x45: {  	_ =	shalt  }
0x46: {  	_ =	shalt  }
0x47: {  	_ =	shalt  }
0x48: {  	_ =	shalt  }
0x49: {  	_ =	shalt  }
0x4a: {  	_ =	shalt  }
0x4b: {  	_ =	shalt  }
0x4c: {  	_ =	shalt  }
0x4d: {  	_ =	shalt  }
0x4e: {  	_ =	shalt  }
0x4f: {  	_ =	shalt  }
0x50: {  	_ =	shalt  }
0x51: {  	_ =	shalt  }
0x52: {  	_ =	shalt  }
0x53: {  	_ =	shalt  }
0x54: {  	_ =	shalt  }
0x55: {  	_ =	shalt  }
0x56: {  	_ =	shalt  }
0x57: {  	_ =	shalt  }
0x58: {  	_ =	shalt  }
0x59: {  	_ =	shalt  }
0x5a: {  	_ =	shalt  }
0x5b: {  	_ =	shalt  }
0x5c: {  	_ =	shalt  }
0x5d: {  	_ =	shalt  }
0x5e: {  	_ =	shalt  }
0x5f: {  	_ =	shalt  }
0x60: {  	_ =	shalt  }
0x61: {  	_ =	shalt  }
0x62: {  	_ =	shalt  }
0x63: {  	_ =	shalt  }
0x64: {  	_ =	shalt  }
0x65: {  	_ =	shalt  }
0x66: {  	_ =	shalt  }
0x67: {  	_ =	shalt  }
0x68: {  	_ =	shalt  }
0x69: {  	_ =	shalt  }
0x6a: {  	_ =	shalt  }
0x6b: {  	_ =	shalt  }
0x6c: {  	_ =	shalt  }
0x6d: {  	_ =	shalt  }
0x6e: {  	_ =	shalt  }
0x6f: {  	_ =	shalt  }
0x70: {  	_ =	shalt  }
0x71: {  	_ =	shalt  }
0x72: {  	_ =	shalt  }
0x73: {  	_ =	shalt  }
0x74: {  	_ =	shalt  }
0x75: {  	_ =	shalt  }
0x76: {  	_ =	shalt  }
0x77: {  	_ =	shalt  }
0x78: {  	_ =	shalt  }
0x79: {  	_ =	shalt  }
0x7a: {  	_ =	shalt  }
0x7b: {  	_ =	shalt  }
0x7c: {  	_ =	shalt  }
0x7d: {  	_ =	shalt  }
0x7e: {  	_ =	shalt  }
0x7f: {  	_ =	shalt  }
0x80: {  	_ =	shalt  }
0x81: {  	_ =	shalt  }
0x82: {  	_ =	shalt  }
0x83: {  	_ =	shalt  }
0x84: {  	_ =	shalt  }
0x85: {  	_ =	shalt  }
0x86: {  	_ =	shalt  }
0x87: {  	_ =	shalt  }
.Lfunc_end0:
.L_simem_size_0:
called_computation_lowered:
.L_overlay_start_0:
0x88: {  	s2 =	sld [smem:$0x3FD9]  }
0x89: {  	s3 =	sld [smem:$0x3FFE];
	_ =	sdelay $0x1  }
0x8a: {  	s1 =	srdreg.scid  }
0x8b: {  	s0 =	sand.u32 $0x1, s1  }
0x8c: {  	s17 =	sshll.u32 s0, $0xA;
	s2 =	sadd.s32 s3, s2  }
0x8d: {  	s2 =	sadd.s32 s2, s17  }
0x8e: {  	[smem:$0x3FC6] =	sst s2  }
0x8f: {  	_ = 	snop  }
0x90: {  	s2 =	sld [smem:$0x3FC8]  }
0x91: {  	s18 =	sld [smem:$0x3FD0];
	(tm) =	ssettm $0x1  }
0x92: {  	s4 =	sld [smem:$0x3FFB];
	_ =	sdelay $0x3  }
0x93: {  	_ =	strace s4  }
0x94: {  	s4 =	sld [smem:$0x3FFC];
	_ =	sdelay $0x3  }
0x95: {  	_ =	strace s4  }
0x96: {  	s4 =	sld [smem:$0x3FFD];
	_ =	sdelay $0x3  }
0x97: {  	_ =	strace s4  }
0x98: {  	_ =	strace $0x8FFFFFFF  }
0x99: {  	s19 =	sld [smem:$0x3FDB];
	_ =	sdelay $0x1  }
0x9a: {  	s5 =	simm.s32 $_scs_section_size  }
0x9b: {  	s6 =	simm.s32 $_size__tile_overlayer_lowered;
	s7 =	simm.s32 $_tile_overlayer_lowered  }
0x9c: {  	s22 =	simm.s32 $0x1BFF;
	s21 =	sshll.u32 s7, $0x1;
	s4 =	sadd.s32 s5, s19  }
0x9d: {  	s8 =	simm.s32 $0x0;
	s20 =	sshll.u32 s6, $0x1;
	s6 =	sadd.s32 s21, s4  }
0x9e: {  	[timem:s8], [sflag:s22] =	dma.local [hbm:s6], s20  }
0x9f: {  	_ =	swait.ge [sflag:s22], s20  }
0xa0: {  	s5 =	ssub.s32 $0x0, s20;
	[sflag:s22] =	ssyncset.done $0x0  }
0xa1: {  	[sflag:s22] =	ssyncadd.s32 s5;
	_ =	sdelay $0x1  }
0xa2: {  	s23 =	simm.s32 $0x1B8B  }
0xa3: {  	_ =	swait.ge [sflag:s23], $0x1  }
0xa4: {  	[sflag:s23] =	ssyncset.done $0x0  }
0xa5: {  	s25 =	simm.s32 $0x1B8E;
	s24 =	sld [smem:$0x3FFE];
	[sflag:s23] =	ssyncadd.s32 $0xFFFFFFFF  }
0xa6: {  	s26 =	simm.s32 $execute0_lowered;
	[smem:$0x3FD2] =	sst s25  }
0xa7: {  	s6 =	sshll.u32 s26, $0x1;
	_ =	strace $0x80000046;
	[dreg:$0x1] =	wrdreg $0xFFFFFFFF  }
0xa8: {  	s28 =	simm.s32 $_size_execute0_lowered;
	s4 =	sadd.s32 s4, s6;
	[dreg:$0x0] =	wrdreg $0x0  }
0xa9: {  	s6 =	sshll.u32 s28, $0x1;
	[dreg:$0x2] =	wrdreg s4  }
0xaa: {  	[dreg:$0x3] =	wrdreg s6  }
0xab: {  	[dreg:$0x4] =	wrdreg $0xC0  }
0xac: {  	_ =	task [dreg:s8], $0x5FFFF  }
0xad: {  	[dreg:$0x1] =	wrdreg $0xFFFFFFFF  }
0xae: {  	[dreg:$0x0] =	wrdreg $0x60  }
0xaf: {  	[dreg:$0x2] =	wrdreg s2  }
0xb0: {  	[dreg:$0x3] =	wrdreg s24  }
0xb1: {  	[dreg:$0x4] =	wrdreg s18  }
0xb2: {  	[dreg:$0x5] =	wrdreg $0x9  }
0xb3: {  	_ =	task.clear_ibuf [dreg:s8], $0x6FFFF;
	_ =	strace $0x90000046  }
0xb4: {  	s29 =	simm.s32 $0x9;
	_ =	strace $0x80000048  }
0xb5: {  	_ =	swait.ge [sflag:s29], $0x1  }
0xb6: {  	[sflag:s29] =	ssyncadd.s32 $0xFFFFFFFF  }
0xb7: {  	_ =	strace $0x90000048  }
0xb8: {  	_ =	sfence  }
0xb9: {  	s30 =	sld [smem:$0x0];
	_ =	sdelay $0x2  }
0xba: {  	s31 =	sshll.u32 s1, $0xD;
	s1 =	sshrl.u32 s1, $0x2  }
0xbb: {  	s3 =	sand.u32 $0x4000, s31;
	s1 =	sadd.s32 s1, s30  }
0xbc: {  	s0 =	sor.u32 s3, s0;
	s1 =	sshll.u32 s1, $0x11  }
0xbd: {  	s0 =	sor.u32 s1, s0  }
0xbe: {  	s0 =	sadd.s32 $0x8F2B, s0  }
0xbf: {  	[sflag:s0] =	ssyncadd.remote.s32 $0x1  }
0xc0: {  	_ =	sfence.sel $0xFFFF  }
0xc1: {  	[dreg:$0x0] =	wrdreg $0xFFFFFFFF;
	(pc) =	sbr.abs _section_cstart, $3  }
0xc2: {  	[dreg:$0x1] =	wrdreg $0xFFFFFFFF  }
0xc3: {  	_ =	task.clear_ibuf [dreg:s8], $0x2FFFF;
	_ =	strace $0x9FFFFFFF  }
0xc4: {  	(tm) =	ssettm $0x7FFFFFFF  }
0xc5: {  	_ =	shalt  }
tec
execute0_lowered:
.L_overlay_start_1:
0x0: {  	(tag) =	ssettag $0x1  }
0x1: {  	s1 =	rddreg [dreg:$0x0];
	s0 =	srdreg.scid  }
0x2: {  	s10 =	stileid.u32;
	s2 =	rddreg [dreg:$0x1]  }
0x3: {  	s3 =	rddreg [dreg:$0x2];
	s12 =	simm.s32 $0x80;
	s13 =	simm.s32 $0x12400  }
0x4: {  	s14 =	simm.s32 $0x1;
	s30 =	simm.s32 $0x6400;
	s15 =	simm.s32 $0x16400  }
0x5: {  	s0 =	sand.u32 $0x1, s0;
	s4 =	sshll.u32 s10, $0x1;
	s24 =	smul.u32 $0xC8000, s10  }
0x6: {  	s5 =	sor.u32 s0, s4;
	s7 =	ssub.s32 $0x2, s0;
	s0 =	smul.u32 $0x64000, s0  }
0x7: {  	s31 =	simm.s32 $0xA400;
	s4 =	simm.s32 $0x0;
	s6 =	smul.u32 $0xC80, s5  }
0x8: {  	[smem:$0x7FF] =	sst s4;
	s8 =	smul.u32 $0x320000, s5;
	s9 =	sshrl.u32 s7, $0x1  }
0x9: {  	s5 =	smul.u32 $0xC8, s5;
	_ =	strace $0x80000047;
	[dreg:$0x4] =	wrdreg s30  }
0xa: {  	s21 =	ssub.s32 s7, s9;
	[dreg:$0x6] =	wrdreg s31;
	s2 =	sadd.s32 s6, s2  }
0xb: {  	s22 =	sshrl.u32 s8, $0x3;
	[dreg:$0x5] =	wrdreg s5;
	s29 =	smax.u32 s21, $0x1  }
0xc: {  	s23 =	sadd.s32 s3, s22;
	s2 =	sadd.s32 $0x400, s2;
	[dreg:$0xb] =	wrdreg s29  }
0xd: {  	s16 =	simm.s32 $0x2;
	[dreg:$0x7] =	wrdreg s2;
	s25 =	sadd.s32 $0x62800, s23  }
0xe: {  	s10 =	sadd.s32 s0, s24;
	s26 =	sadd.s32 $0x63000, s23;
	[dreg:$0x8] =	wrdreg s25  }
0xf: {  	s24 =	simm.s32 $0x9;
	s28 =	sadd.s32 $0x63800, s23;
	[dreg:$0x9] =	wrdreg s26  }
0x10: {  	[dreg:$0xa] =	wrdreg s28;
	s25 =	simm.s32 $0xA;
	s26 =	simm.s32 $0x0  }
.LBB2_1:
0x11: {  	s0 =	rddreg [dreg:$0x7];
	s18 =	simm.s32 $0xB  }
0x12: {  	[tilespmem:s4], [sflag:$0xB] =	stream.linear.gather [hbm4b:s0+s4], $0x6400, $0x38;
	[tilespmem:$0x1A400] =	vst v63  }
0x13: {  	p1 =	por $0x0, $0x0;
	_ =	swait.ge [sflag:s18], $0x6400  }
0x14: {  	p0 =	por p1, p1;
	[sflag:s18] =	ssyncset.done $0x0  }
0x15: {  	s0 =	simm.s32 @p0 $0x6;
	[sflag:s18] =	ssyncadd.s32 $0xFFFF9C00  }
0x16: {  	s2 =	sadd.s32 @p1 $0x1FFFE800, s10;
	_ =	swait.ge @p0 [sflag:s0], $0x4000  }
0x17: {  	s5 =	simm.s32 @p0 $0x6400;
	s6 =	simm.s32 @p0 $0x3;
	[sflag:s0] =	ssyncset.done @p0 $0x0  }
0x18: {  	s7 =	simm.s32 @p0 $0x80;
	[sflag:s0] =	ssyncadd.s32 @p0 $0xFFFFC000;
	s0 =	simm.s32 @p0 $0x0  }
0x19: {  	[tilespmem:s5], [sflag:$0x1] =	stream.indirect.gather @p0 [hbm4b:s1+s7], $0x80, s0, s7, $0xb8;
	[tilespmem:$0x1A400] =	vst v63  }
0x1a: {  	s0 =	sand.u32 @p1 $0x1FFFF800, s2;
	_ =	swait.ge @p0 [sflag:s6], $0x4000  }
0x1b: {  	s2 =	simm.s32 @p0 $0x7;
	s5 =	simm.s32 @p0 $0x0;
	[sflag:s6] =	ssyncset.done @p0 $0x0  }
0x1c: {  	s0 =	sadd.s32 @p1 s3, s0;
	[sflag:s6] =	ssyncadd.s32 @p0 $0xFFFFC000;
	s6 =	simm.s32 @p0 $0xE400  }
0x1d: {  	[hbm4b:s0+s5] =	stream.linear.scatter @p0 [tilespmem:s6], [sflag:$0x8], $0x4000, $0x38;
	[tilespmem:$0x1A400] =	vst v63  }
0x1e: {  	_ =	swait.ge @p0 [sflag:s2], $0x4000  }
0x1f: {  	s8 =	simm.s32 @p0 $0x80;
	s9 =	simm.s32 @p0 $0x4;
	[sflag:s2] =	ssyncset.done @p0 $0x0  }
0x20: {  	s0 =	sadd.s32 @p1 $0x1FFFF000, s10;
	[sflag:s2] =	ssyncadd.s32 @p0 $0xFFFFC000;
	s2 =	simm.s32 @p0 $0xA400  }
0x21: {  	[tilespmem:s2], [sflag:$0x2] =	stream.indirect.gather @p0 [hbm4b:s1+s7], $0x80, s8, s7, $0xb8;
	[tilespmem:$0x1A400] =	vst v63  }
0x22: {  	s0 =	sand.u32 @p1 $0x1FFFF800, s0;
	_ =	swait.ge @p0 [sflag:s9], $0x4000  }
0x23: {  	s0 =	sadd.s32 @p1 s3, s0;
	[sflag:s9] =	ssyncset.done @p0 $0x0  }
0x24: {  	s2 =	simm.s32 @p0 $0x12400;
	s8 =	simm.s32 @p0 $0x8;
	[sflag:s9] =	ssyncadd.s32 @p0 $0xFFFFC000  }
0x25: {  	[hbm4b:s0+s5] =	stream.linear.scatter @p0 [tilespmem:s2], [sflag:$0x9], $0x4000, $0x38;
	[tilespmem:$0x1A400] =	vst v63  }
0x26: {  	_ =	swait.ge @p0 [sflag:s8], $0x4000  }
0x27: {  	s0 =	sadd.s32 @p1 $0x1FFFF800, s10;
	[sflag:s8] =	ssyncset.done @p0 $0x0  }
0x28: {  	s2 =	simm.s32 @p0 $0x100;
	[sflag:s8] =	ssyncadd.s32 @p0 $0xFFFFC000;
	s8 =	simm.s32 @p0 $0x5  }
0x29: {  	[tilespmem:s6], [sflag:$0x3] =	stream.indirect.gather @p0 [hbm4b:s1+s7], $0x80, s2, s7, $0xb8;
	[tilespmem:$0x1A400] =	vst v63  }
0x2a: {  	s0 =	sand.u32 @p1 $0x1FFFF800, s0;
	_ =	swait.ge @p0 [sflag:s8], $0x4000  }
0x2b: {  	s0 =	sadd.s32 @p1 s3, s0;
	[sflag:s8] =	ssyncset.done @p0 $0x0  }
0x2c: {  	s2 =	simm.s32 @p0 $0x16400;
	s6 =	simm.s32 @p0 $0x9;
	[sflag:s8] =	ssyncadd.s32 @p0 $0xFFFFC000  }
0x2d: {  	[hbm4b:s0+s5] =	stream.linear.scatter @p0 [tilespmem:s2], [sflag:$0xA], $0x4000, $0x38;
	[tilespmem:$0x1A400] =	vst v63  }
0x2e: {  	s28 =	sadd.s32 $0x2800, s10;
	p2 =	por $0x1, $0x1;
	_ =	swait.ge @p0 [sflag:s6], $0x4000  }
0x2f: {  	s0 =	simm.s32 $0x0;
	s2 =	simm.s32 @!p0 $0x6400;
	[sflag:s6] =	ssyncset.done @p0 $0x0  }
0x30: {  	s5 =	simm.s32 @!p0 $0x80;
	[sflag:s6] =	ssyncadd.s32 @p0 $0xFFFFC000;
	s6 =	simm.s32 @!p0 $0x0  }
0x31: {  	[tilespmem:s2], [sflag:$0x1] =	stream.indirect.gather @!p0 [hbm4b:s1+s5], $0x80, s6, s5, $0xb8;
	[tilespmem:$0x1A400] =	vst v63  }
0x32: {  	s21 =	sadd.s32 s10, s3;
	s0 =	simm.s32 @!p1 $0x0;
	s2 =	simm.s32 @!p0 $0xA400  }
0x33: {  	[tilespmem:s2], [sflag:$0x2] =	stream.indirect.gather @!p0 [hbm4b:s1+s5], $0x80, s5, s5, $0xb8;
	[tilespmem:$0x1A400] =	vst v63  }
0x34: {  	s0 =	sshra.s32 s0, $0x2;
	s6 =	simm.s32 @!p0 $0xE400;
	s2 =	simm.s32 @!p0 $0x100  }
0x35: {  	[tilespmem:s6], [sflag:$0x3] =	stream.indirect.gather @!p0 [hbm4b:s1+s5], $0x80, s2, s5, $0xb8;
	[tilespmem:$0x1A400] =	vst v63  }
0x36: {  	s29 =	simm.s32 $0xA00;
	s31 =	simm.s32 $0x6;
	s19 =	sadd.s32 $0x180, s0  }
0x37: {  	[tilespmem:s13], [sflag:$0x4] =	stream.indirect.gather [hbm4b:s1+s12], $0x80, s19, s12, $0xb8;
	[tilespmem:$0x1A400] =	vst v63  }
0x38: {  	s18 =	simm.s32 $0x1400;
	p1 =	por $0x1, $0x1;
	_ =	swait.ge [sflag:s14], $0x4000  }
0x39: {  	s8 =	simm.s32 $0x1;
	s7 =	sadd.s32 @p1 $0x1FFFF800, s28;
	[sflag:s14] =	ssyncset.done $0x0  }
0x3a: {  	s6 =	simm.s32 @!p2 $0xA;
	s20 =	rddreg [dreg:$0x4];
	[sflag:s14] =	ssyncadd.s32 $0xFFFFC000  }
0x3b: {  	[hbm4b:s21+s4] =	stream.linear.scatter [tilespmem:s20], [sflag:$0x6], $0x4000, $0x38;
	[tilespmem:$0x1A400] =	vst v63  }
0x3c: {  	s8 =	simm.s32 @!p0 $0x1;
	s2 =	sadd.s32 @p1 $0x1FFFE800, s28;
	_ =	swait.ge @!p2 [sflag:s6], $0x4000  }
0x3d: {  	s0 =	sadd.s32 $0x200, s0;
	s2 =	sand.u32 @p1 $0x1FFFF800, s2;
	[sflag:s6] =	ssyncset.done @!p2 $0x0  }
0x3e: {  	s5 =	sadd.s32 @p1 s3, s2;
	s2 =	sadd.s32 @p1 $0x1FFFF000, s28;
	[sflag:s6] =	ssyncadd.s32 @!p2 $0xFFFFC000  }
0x3f: {  	[tilespmem:s15], [sflag:$0x5] =	stream.indirect.gather [hbm4b:s1+s12], $0x80, s0, s12, $0xb8;
	[tilespmem:$0x1A400] =	vst v63  }
0x40: {  	p0 =	por p1, p1;
	s6 =	simm.s32 $0xA00;
	s0 =	sand.u32 @p1 $0x1FFFF800, s2  }
0x41: {  	s2 =	sand.u32 @p1 $0x1FFFF800, s7;
	s6 =	simm.s32 @!p1 $0x0;
	_ =	swait.ge [sflag:s16], $0x4000  }
0x42: {  	s0 =	sadd.s32 @p1 s3, s0;
	s2 =	sadd.s32 @p1 s3, s2;
	s22 =	rddreg [dreg:$0x5]  }
0x43: {  	s30 =	sshra.s32 s6, $0x2;
	s6 =	sadd.s32 $0x2800, s28;
	s23 =	sadd.s32 s22, s8  }
0x44: {  	[sflag:s16] =	ssyncset.done $0x0;
	s9 =	rddreg [dreg:$0x6];
	s7 =	sshll.u32 s23, $0xB  }
0x45: {  	[sflag:s16] =	ssyncadd.s32 $0xFFFFC000;
	s8 =	simm.s32 @p0 $0x6;
	s7 =	sand.u32 $0x1FFFF800, s7  }
.LBB2_2:
0x46: {  	s11 =	sadd.s32 s3, s7  }
0x47: {  	[hbm4b:s11+s4] =	stream.linear.scatter [tilespmem:s9], [sflag:$0x7], $0x4000, $0x38;
	[tilespmem:$0x1A400] =	vst v63  }
0x48: {  	p1 =	sne.s32 s18, $0x0;
	_ =	swait.ge @p0 [sflag:s8], $0x4000  }
0x49: {  	s17 =	simm.s32 @p0 $0x6400;
	s19 =	simm.s32 @p0 $0x3;
	[sflag:s8] =	ssyncset.done @p0 $0x0  }
0x4a: {  	s20 =	simm.s32 @p0 $0x80;
	[sflag:s8] =	ssyncadd.s32 @p0 $0xFFFFC000;
	s8 =	sshra.s32 @p0 s29, $0x2  }
0x4b: {  	[tilespmem:s17], [sflag:$0x1] =	stream.indirect.gather @p0 [hbm4b:s1+s20], $0x80, s8, s20, $0xb8;
	[tilespmem:$0x1A400] =	vst v63  }
0x4c: {  	s7 =	smov.u32 s18;
	s22 =	simm.s32 @p0 $0xE400;
	_ =	swait.ge @p0 [sflag:s19], $0x4000  }
0x4d: {  	s23 =	simm.s32 @p0 $0x4;
	s9 =	sadd.s32 @p1 $0x1FFFE800, s6;
	[sflag:s19] =	ssyncset.done @p0 $0x0  }
0x4e: {  	s11 =	simm.s32 @p0 $0x7;
	[sflag:s19] =	ssyncadd.s32 @p0 $0xFFFFC000;
	s19 =	simm.s32 @p0 $0x0  }
0x4f: {  	[hbm4b:s5+s19] =	stream.linear.scatter @p0 [tilespmem:s22], [sflag:$0x8], $0x4000, $0x38;
	[tilespmem:$0x1A400] =	vst v63  }
0x50: {  	s17 =	sadd.s32 @p0 $0x80, s8;
	s21 =	sadd.s32 @p0 $0x100, s8;
	_ =	swait.ge @p0 [sflag:s11], $0x4000  }
0x51: {  	s8 =	sadd.s32 @p1 $0x1FFFF800, s6;
	s5 =	sadd.s32 @p1 $0x1FFFF000, s6;
	[sflag:s11] =	ssyncset.done @p0 $0x0  }
0x52: {  	s5 =	sand.u32 @p1 $0x1FFFF800, s5;
	[sflag:s11] =	ssyncadd.s32 @p0 $0xFFFFC000;
	s11 =	simm.s32 @p0 $0xA400  }
0x53: {  	[tilespmem:s11], [sflag:$0x2] =	stream.indirect.gather @p0 [hbm4b:s1+s20], $0x80, s17, s20, $0xb8;
	[tilespmem:$0x1A400] =	vst v63  }
0x54: {  	s8 =	sand.u32 @p1 $0x1FFFF800, s8;
	s11 =	sadd.s32 @p1 s3, s5;
	_ =	swait.ge @p0 [sflag:s23], $0x4000  }
0x55: {  	s17 =	sadd.s32 @p1 s3, s8;
	s5 =	smov.u32 s7;
	[sflag:s23] =	ssyncset.done @p0 $0x0  }
0x56: {  	s8 =	simm.s32 @p0 $0x12400;
	[sflag:s23] =	ssyncadd.s32 @p0 $0xFFFFC000;
	s23 =	simm.s32 @p0 $0x8  }
0x57: {  	[hbm4b:s0+s19] =	stream.linear.scatter @p0 [tilespmem:s8], [sflag:$0x9], $0x4000, $0x38;
	[tilespmem:$0x1A400] =	vst v63  }
0x58: {  	s9 =	sand.u32 @p1 $0x1FFFF800, s9;
	s5 =	simm.s32 @!p1 $0x0;
	_ =	swait.ge @p0 [sflag:s23], $0x4000  }
0x59: {  	s9 =	sadd.s32 @p1 s3, s9;
	s8 =	sshra.s32 s5, $0x2;
	[sflag:s23] =	ssyncset.done @p0 $0x0  }
0x5a: {  	s5 =	smov.u32 s9;
	s9 =	simm.s32 @p0 $0x5;
	[sflag:s23] =	ssyncadd.s32 @p0 $0xFFFFC000  }
0x5b: {  	[tilespmem:s22], [sflag:$0x3] =	stream.indirect.gather @p0 [hbm4b:s1+s20], $0x80, s21, s20, $0xb8;
	[tilespmem:$0x1A400] =	vst v63  }
0x5c: {  	_ =	swait.ge @p0 [sflag:s9], $0x4000  }
0x5d: {  	s0 =	smov.u32 s11;
	[sflag:s9] =	ssyncset.done @p0 $0x0  }
0x5e: {  	s11 =	simm.s32 @p0 $0x9;
	[sflag:s9] =	ssyncadd.s32 @p0 $0xFFFFC000;
	s9 =	simm.s32 @p0 $0x16400  }
0x5f: {  	[hbm4b:s2+s19] =	stream.linear.scatter @p0 [tilespmem:s9], [sflag:$0xA], $0x4000, $0x38;
	[tilespmem:$0x1A400] =	vst v63  }
0x60: {  	_ =	swait.ge @p0 [sflag:s11], $0x4000  }
0x61: {  	s2 =	smov.u32 s17;
	s9 =	simm.s32 @!p0 $0x6400;
	[sflag:s11] =	ssyncset.done @p0 $0x0  }
0x62: {  	s17 =	simm.s32 @!p0 $0x0;
	[sflag:s11] =	ssyncadd.s32 @p0 $0xFFFFC000;
	s11 =	simm.s32 @!p0 $0x80  }
0x63: {  	[tilespmem:s9], [sflag:$0x1] =	stream.indirect.gather @!p0 [hbm4b:s1+s11], $0x80, s17, s11, $0xb8;
	[tilespmem:$0x1A400] =	vst v63  }
0x64: {  	s9 =	simm.s32 @!p0 $0xA400  }
0x65: {  	[tilespmem:s9], [sflag:$0x2] =	stream.indirect.gather @!p0 [hbm4b:s1+s11], $0x80, s11, s11, $0xb8;
	[tilespmem:$0x1A400] =	vst v63  }
0x66: {  	s17 =	simm.s32 @!p0 $0xE400;
	s9 =	simm.s32 @!p0 $0x100  }
0x67: {  	[tilespmem:s17], [sflag:$0x3] =	stream.indirect.gather @!p0 [hbm4b:s1+s11], $0x80, s9, s11, $0xb8;
	[tilespmem:$0x1A400] =	vst v63  }
0x68: {  	s19 =	sadd.s32 $0x180, s30  }
0x69: {  	[tilespmem:s13], [sflag:$0x4] =	stream.indirect.gather [hbm4b:s1+s12], $0x80, s19, s12, $0xb8;
	[tilespmem:$0x1A400] =	vst v63  }
0x6a: {  	s18 =	sadd.s32 $0xA00, s18;
	_ =	swait.ge [sflag:s14], $0x4000  }
0x6b: {  	p3 =	seq.s32 s29, $0x0;
	s21 =	sadd.s32 s28, s3;
	[sflag:s14] =	ssyncset.done $0x0  }
0x6c: {  	s9 =	simm.s32 @!p3 $0xA;
	s20 =	rddreg [dreg:$0x4];
	[sflag:s14] =	ssyncadd.s32 $0xFFFFC000  }
0x6d: {  	[hbm4b:s21+s4] =	stream.linear.scatter [tilespmem:s20], [sflag:$0x6], $0x4000, $0x38;
	[tilespmem:$0x1A400] =	vst v63  }
0x6e: {  	p2 =	sne.s32 s18, $0x19000;
	_ =	swait.ge @!p3 [sflag:s9], $0x4000  }
0x6f: {  	s29 =	smov.u32 s7;
	s28 =	smov.u32 s6;
	[sflag:s9] =	ssyncset.done @!p3 $0x0  }
0x70: {  	s22 =	sadd.s32 $0x200, s30;
	s30 =	smov.u32 s8;
	[sflag:s9] =	ssyncadd.s32 @!p3 $0xFFFFC000  }
0x71: {  	[tilespmem:s15], [sflag:$0x5] =	stream.indirect.gather [hbm4b:s1+s12], $0x80, s22, s12, $0xb8;
	[tilespmem:$0x1A400] =	vst v63  }
.Ltmp0:
0x72: {  	s8 =	smov.u32 s31;
	_ =	swait.ge [sflag:s16], $0x4000;
	(pc) =	sbr.rel @p2 .LBB2_2-.Ltmp0, $4  }
0x73: {  	s6 =	sadd.s32 $0x2800, s6;
	s8 =	simm.s32 @!p0 $0x1;
	s23 =	rddreg [dreg:$0x5]  }
0x74: {  	s31 =	sadd.s32 $0x5, s31;
	p0 =	por p1, p1;
	s7 =	sadd.s32 s23, s8  }
0x75: {  	[sflag:s16] =	ssyncset.done $0x0;
	s9 =	rddreg [dreg:$0x6];
	s7 =	sshll.u32 s7, $0xB  }
0x76: {  	[sflag:s16] =	ssyncadd.s32 $0xFFFFC000;
	s8 =	simm.s32 @p0 $0x6;
	s7 =	sand.u32 $0x1FFFF800, s7  }
0x77: {  	s6 =	sadd.s32 s3, s7  }
0x78: {  	[hbm4b:s6+s4] =	stream.linear.scatter [tilespmem:s9], [sflag:$0x7], $0x4000, $0x38;
	[tilespmem:$0x1A400] =	vst v63  }
0x79: {  	_ =	swait.ge @p0 [sflag:s8], $0x4000  }
0x7a: {  	s7 =	simm.s32 @p0 $0x3;
	s6 =	simm.s32 @p0 $0x6400;
	[sflag:s8] =	ssyncset.done @p0 $0x0  }
0x7b: {  	s9 =	simm.s32 @p0 $0x80;
	[sflag:s8] =	ssyncadd.s32 @p0 $0xFFFFC000;
	s8 =	sshra.s32 @p0 s29, $0x2  }
0x7c: {  	[tilespmem:s6], [sflag:$0x1] =	stream.indirect.gather @p0 [hbm4b:s1+s9], $0x80, s8, s9, $0xb8;
	[tilespmem:$0x1A400] =	vst v63  }
0x7d: {  	_ =	swait.ge @p0 [sflag:s7], $0x4000  }
0x7e: {  	s11 =	simm.s32 @p0 $0xE400;
	[sflag:s7] =	ssyncset.done @p0 $0x0  }
0x7f: {  	s6 =	simm.s32 @p0 $0x7;
	[sflag:s7] =	ssyncadd.s32 @p0 $0xFFFFC000;
	s7 =	simm.s32 @p0 $0x0  }
0x80: {  	[hbm4b:s5+s7] =	stream.linear.scatter @p0 [tilespmem:s11], [sflag:$0x8], $0x4000, $0x38;
	[tilespmem:$0x1A400] =	vst v63  }
0x81: {  	_ =	swait.ge @p0 [sflag:s6], $0x4000  }
0x82: {  	[sflag:s6] =	ssyncset.done @p0 $0x0  }
0x83: {  	s5 =	sadd.s32 @p0 $0x80, s8;
	[sflag:s6] =	ssyncadd.s32 @p0 $0xFFFFC000;
	s6 =	simm.s32 @p0 $0xA400  }
0x84: {  	[tilespmem:s6], [sflag:$0x2] =	stream.indirect.gather @p0 [hbm4b:s1+s9], $0x80, s5, s9, $0xb8;
	[tilespmem:$0x1A400] =	vst v63  }
0x85: {  	s5 =	simm.s32 @p0 $0x4  }
0x86: {  	_ =	swait.ge @p0 [sflag:s5], $0x4000  }
0x87: {  	[sflag:s5] =	ssyncset.done @p0 $0x0  }
0x88: {  	[sflag:s5] =	ssyncadd.s32 @p0 $0xFFFFC000;
	s5 =	simm.s32 @p0 $0x12400  }
0x89: {  	[hbm4b:s0+s7] =	stream.linear.scatter @p0 [tilespmem:s5], [sflag:$0x9], $0x4000, $0x38;
	[tilespmem:$0x1A400] =	vst v63  }
0x8a: {  	s0 =	simm.s32 @p0 $0x8  }
0x8b: {  	_ =	swait.ge @p0 [sflag:s0], $0x4000  }
0x8c: {  	[sflag:s0] =	ssyncset.done @p0 $0x0  }
0x8d: {  	[sflag:s0] =	ssyncadd.s32 @p0 $0xFFFFC000;
	s0 =	sadd.s32 @p0 $0x100, s8  }
0x8e: {  	[tilespmem:s11], [sflag:$0x3] =	stream.indirect.gather @p0 [hbm4b:s1+s9], $0x80, s0, s9, $0xb8;
	[tilespmem:$0x1A400] =	vst v63  }
0x8f: {  	s0 =	simm.s32 @p0 $0x5  }
0x90: {  	_ =	swait.ge @p0 [sflag:s0], $0x4000  }
0x91: {  	[sflag:s0] =	ssyncset.done @p0 $0x0  }
0x92: {  	[sflag:s0] =	ssyncadd.s32 @p0 $0xFFFFC000;
	s0 =	simm.s32 @p0 $0x16400  }
0x93: {  	[hbm4b:s2+s7] =	stream.linear.scatter @p0 [tilespmem:s0], [sflag:$0xA], $0x4000, $0x38;
	[tilespmem:$0x1A400] =	vst v63  }
0x94: {  	s0 =	simm.s32 @p0 $0x9  }
0x95: {  	_ =	swait.ge @p0 [sflag:s0], $0x4000  }
0x96: {  	s5 =	simm.s32 @!p0 $0x0;
	[sflag:s0] =	ssyncset.done @p0 $0x0  }
0x97: {  	s2 =	simm.s32 @!p0 $0x6400;
	[sflag:s0] =	ssyncadd.s32 @p0 $0xFFFFC000;
	s0 =	simm.s32 @!p0 $0x80  }
0x98: {  	[tilespmem:s2], [sflag:$0x1] =	stream.indirect.gather @!p0 [hbm4b:s1+s0], $0x80, s5, s0, $0xb8;
	[tilespmem:$0x1A400] =	vst v63  }
0x99: {  	s2 =	simm.s32 @!p0 $0xA400  }
0x9a: {  	[tilespmem:s2], [sflag:$0x2] =	stream.indirect.gather @!p0 [hbm4b:s1+s0], $0x80, s0, s0, $0xb8;
	[tilespmem:$0x1A400] =	vst v63  }
0x9b: {  	s5 =	simm.s32 @!p0 $0xE400;
	s2 =	simm.s32 @!p0 $0x100  }
0x9c: {  	[tilespmem:s5], [sflag:$0x3] =	stream.indirect.gather @!p0 [hbm4b:s1+s0], $0x80, s2, s0, $0xb8;
	[tilespmem:$0x1A400] =	vst v63  }
0x9d: {  	s5 =	sadd.s32 $0x180, s30  }
0x9e: {  	[tilespmem:s13], [sflag:$0x4] =	stream.indirect.gather [hbm4b:s1+s12], $0x80, s5, s12, $0xb8;
	[tilespmem:$0x1A400] =	vst v63  }
0x9f: {  	_ =	swait.ge [sflag:s14], $0x4000  }
0xa0: {  	p1 =	seq.s32 s29, $0x0;
	s7 =	sadd.s32 s28, s3;
	[sflag:s14] =	ssyncset.done $0x0  }
0xa1: {  	s0 =	simm.s32 @!p1 $0xA;
	s6 =	rddreg [dreg:$0x4];
	[sflag:s14] =	ssyncadd.s32 $0xFFFFC000  }
0xa2: {  	[hbm4b:s7+s4] =	stream.linear.scatter [tilespmem:s6], [sflag:$0x6], $0x4000, $0x38;
	[tilespmem:$0x1A400] =	vst v63  }
0xa3: {  	_ =	swait.ge @!p1 [sflag:s0], $0x4000  }
0xa4: {  	[sflag:s0] =	ssyncset.done @!p1 $0x0  }
0xa5: {  	s8 =	sadd.s32 $0x200, s30;
	[sflag:s0] =	ssyncadd.s32 @!p1 $0xFFFFC000  }
0xa6: {  	[tilespmem:s15], [sflag:$0x5] =	stream.indirect.gather [hbm4b:s1+s12], $0x80, s8, s12, $0xb8;
	[tilespmem:$0x1A400] =	vst v63  }
0xa7: {  	_ =	swait.ge [sflag:s16], $0x4000  }
0xa8: {  	s31 =	simm.s32 @!p0 $0x1;
	s9 =	rddreg [dreg:$0x5]  }
0xa9: {  	s0 =	sadd.s32 s9, s31  }
0xaa: {  	s0 =	sshll.u32 s0, $0xB  }
0xab: {  	s17 =	simm.s32 $0x3;
	[sflag:s16] =	ssyncset.done $0x0;
	s0 =	sand.u32 $0x1FFFF800, s0  }
0xac: {  	s11 =	rddreg [dreg:$0x6];
	[sflag:s16] =	ssyncadd.s32 $0xFFFFC000;
	s0 =	sadd.s32 s3, s0  }
0xad: {  	[hbm4b:s0+s4] =	stream.linear.scatter [tilespmem:s11], [sflag:$0x7], $0x4000, $0x38;
	[tilespmem:$0x1A400] =	vst v63  }
0xae: {  	_ =	swait.ge [sflag:s17], $0x4000  }
0xaf: {  	s19 =	simm.s32 $0xE400;
	[sflag:s17] =	ssyncset.done $0x0  }
0xb0: {  	s20 =	simm.s32 $0x4;
	s18 =	rddreg [dreg:$0x8];
	[sflag:s17] =	ssyncadd.s32 $0xFFFFC000  }
0xb1: {  	[hbm4b:s18+s4] =	stream.linear.scatter [tilespmem:s19], [sflag:$0x8], $0x4000, $0x38;
	[tilespmem:$0x1A400] =	vst v63  }
0xb2: {  	_ =	swait.ge [sflag:s20], $0x4000  }
0xb3: {  	[sflag:s20] =	ssyncset.done $0x0  }
0xb4: {  	s22 =	simm.s32 $0x5;
	s21 =	rddreg [dreg:$0x9];
	[sflag:s20] =	ssyncadd.s32 $0xFFFFC000  }
0xb5: {  	[hbm4b:s21+s4] =	stream.linear.scatter [tilespmem:s13], [sflag:$0x9], $0x4000, $0x38;
	[tilespmem:$0x1A400] =	vst v63  }
0xb6: {  	_ =	swait.ge [sflag:s22], $0x4000  }
0xb7: {  	[sflag:s22] =	ssyncset.done $0x0  }
0xb8: {  	s28 =	simm.s32 $0x6;
	s23 =	rddreg [dreg:$0xa];
	[sflag:s22] =	ssyncadd.s32 $0xFFFFC000  }
0xb9: {  	[hbm4b:s23+s4] =	stream.linear.scatter [tilespmem:s15], [sflag:$0xA], $0x4000, $0x38;
	[tilespmem:$0x1A400] =	vst v63  }
0xba: {  	_ =	swait.ge [sflag:s28], $0x4000  }
0xbb: {  	[sflag:s28] =	ssyncset.done $0x0  }
0xbc: {  	s29 =	simm.s32 $0x7;
	[sflag:s28] =	ssyncadd.s32 $0xFFFFC000  }
0xbd: {  	_ =	swait.ge [sflag:s29], $0x4000  }
0xbe: {  	[sflag:s29] =	ssyncset.done $0x0  }
0xbf: {  	s30 =	simm.s32 $0x8;
	[sflag:s29] =	ssyncadd.s32 $0xFFFFC000  }
0xc0: {  	_ =	swait.ge [sflag:s30], $0x4000  }
0xc1: {  	[sflag:s30] =	ssyncset.done $0x0  }
0xc2: {  	[sflag:s30] =	ssyncadd.s32 $0xFFFFC000  }
0xc3: {  	_ =	swait.ge [sflag:s24], $0x4000  }
0xc4: {  	[sflag:s24] =	ssyncset.done $0x0  }
0xc5: {  	[sflag:s24] =	ssyncadd.s32 $0xFFFFC000  }
0xc6: {  	_ =	swait.ge [sflag:s25], $0x4000  }
0xc7: {  	s26 =	sadd.s32 $0x1, s26;
	s31 =	rddreg [dreg:$0xb]  }
0xc8: {  	p0 =	sne.s32 s26, s31  }
.Ltmp1:
0xc9: {  	_ = 	snop;
	(pc) =	sbr.rel @p0 .LBB2_1-.Ltmp1, $3  }
0xca: {  	_ =	sdelay $0x1  }
0xcb: {  	[sflag:s25] =	ssyncset.done $0x0  }
0xcc: {  	[sflag:s25] =	ssyncadd.s32 $0xFFFFC000  }
0xcd: {  	_ =	sfence.sel $0x180000  }
0xce: {  	[bflag:$0x0] =	sbarrier.arrive $0xFFFF  }
0xcf: {  	_ =	strace $0x90000047  }
0xd0: {  	s0 =	stileid.u32;
	[bflag:$0x2] =	sbarrier.arrive $0xFFFF  }
0xd1: {  	p0 =	sne.s32 s0, $0x0;
	s0 =	rddreg [dreg:$0x3]  }
0xd2: {  	s0 =	sadd.s32 @!p0 $0x100000, s0  }
0xd3: {  	[sflag:s0] =	ssyncadd.tile.s32 @!p0 $0x1;
	_ =	shalt  }
.Lfunc_end2:
_tile_overlayer_lowered:
.L_overlay_start_2:
0xd4: {  	(tag) =	ssettag $0x2  }
0xd5: {  	s0 =	rddreg [dreg:$0x0];
	s2 =	stileid.u32  }
0xd6: {  	s1 =	rddreg [dreg:$0x1];
	p0 =	sne.s32 s2, $0x0  }
0xd7: {  	s3 =	rddreg [dreg:$0x2];
	[bflag:$0x3] =	sbarrier.arrive $0xFFFF;
	s2 =	simm.s32 @!p0 $0x1C0B  }
0xd8: {  	[timem:s3], [sflag:s2] =	dma.local @!p0 [hbm:s0], s1  }
0xd9: {  	s0 =	simm.s32 @!p0 $0xB  }
0xda: {  	_ =	swait.ge @!p0 [sflag:s0], s1  }
0xdb: {  	s1 =	ssub.s32 @!p0 $0x0, s1;
	[sflag:s0] =	ssyncset.done @!p0 $0x0  }
0xdc: {  	[sflag:s0] =	ssyncadd.s32 @!p0 s1  }
0xdd: {  	[bflag:$0x3] =	sbarrier.arrive $0xFFFF  }
0xde: {  	_ =	shalt  }

</sc_bundles>
